<compile_context>
chip_gen: v7x
topology: tpu7x:2x2x1
jax: 0.10.2.dev20260603
libtpu: 0.0.44.dev20260713+nightly
codegen_flags: <defaults>
</compile_context>

<pallas_src>
import jax
import jax.numpy as jnp
from jax import lax
from jax.experimental import pallas as pl
from jax.experimental.pallas import tpu as pltpu
from jax.experimental.pallas import tpu_sc as plsc

_VOCAB = 100000
_HIDDEN = 128
_B, _T = 4096, 50
_N = _B * _T
_WINDOW = 128
_NWIN = _N // _WINDOW
_NW = 32
_WPW = _NWIN // _NW
_G = 3
_ROUNDS = _WPW // (2 * _G)
_TAIL = _WPW - _ROUNDS * 2 * _G


@jax.jit
def _sc_gather(W, idx1d):
    mesh = plsc.VectorSubcoreMesh(core_axis_name="core",
                                  subcore_axis_name="subcore")

    @pl.kernel(
        out_type=jax.ShapeDtypeStruct((_N, _HIDDEN), jnp.float32),
        mesh=mesh,
        scratch_types=(
            [pltpu.VMEM((_WPW * _WINDOW,), jnp.int32)]
            + [pltpu.VMEM((_G * _WINDOW, _HIDDEN), jnp.float32)
               for _ in range(2)]
            + [pltpu.SemaphoreType.DMA((2 * _G,)),
               pltpu.SemaphoreType.DMA((2,))]
        ),
    )
    def k(w_hbm, i_hbm, o_hbm, idx_v, buf_a, buf_b, gsem, osem):
        bufs = [buf_a, buf_b]
        cid = lax.axis_index("core")
        sid = lax.axis_index("subcore")
        wid = sid * 2 + cid
        base = wid * _WPW

        def gather_start(win, grp, s):
            pltpu.async_copy(
                w_hbm.at[idx_v.at[pl.ds(win * _WINDOW, _WINDOW)]],
                bufs[grp].at[pl.ds(s * _WINDOW, _WINDOW)],
                gsem.at[grp * _G + s])

        def gather_wait(win, grp, s):
            pltpu.make_async_copy(
                w_hbm.at[idx_v.at[pl.ds(win * _WINDOW, _WINDOW)]],
                bufs[grp].at[pl.ds(s * _WINDOW, _WINDOW)],
                gsem.at[grp * _G + s]).wait()

        def wb_start(win0, grp, nwin):
            pltpu.async_copy(
                bufs[grp].at[pl.ds(0, nwin * _WINDOW)],
                o_hbm.at[pl.ds((base + win0) * _WINDOW, nwin * _WINDOW)],
                osem.at[grp])

        def wb_wait(win0, grp, nwin):
            pltpu.make_async_copy(
                bufs[grp].at[pl.ds(0, nwin * _WINDOW)],
                o_hbm.at[pl.ds((base + win0) * _WINDOW, nwin * _WINDOW)],
                osem.at[grp]).wait()

        pltpu.sync_copy(i_hbm.at[pl.ds(base * _WINDOW, _WPW * _WINDOW)], idx_v)

        for s in range(_G):
            gather_start(s, 0, s)

        @pl.loop(0, _ROUNDS)
        def _(t):
            w0 = t * 2 * _G
            @pl.when(t > 0)
            def _():
                wb_wait(w0 - _G, 1, _G)
            for s in range(_G):
                gather_start(w0 + _G + s, 1, s)
            for s in range(_G):
                gather_wait(w0 + s, 0, s)
            wb_start(w0, 0, _G)
            wb_wait(w0, 0, _G)
            for s in range(_G):
                if s < _TAIL:
                    gather_start(w0 + 2 * _G + s, 0, s)
                else:
                    @pl.when(t < _ROUNDS - 1)
                    def _():
                        gather_start(w0 + 2 * _G + s, 0, s)
            for s in range(_G):
                gather_wait(w0 + _G + s, 1, s)
            wb_start(w0 + _G, 1, _G)

        tail0 = _ROUNDS * 2 * _G
        wb_wait(tail0 - _G, 1, _G)
        for i in range(_TAIL):
            gather_wait(tail0 + i, 0, i)
        wb_start(tail0, 0, _TAIL)
        wb_wait(tail0, 0, _TAIL)

    return k(W, idx1d)


def kernel(x, W):
    idx1d = x.T.astype(jnp.int32).reshape(_N)
    out = _sc_gather(W, idx1d)
    return out.reshape(_T, _B, _HIDDEN).transpose(1, 0, 2)

# --- scband reference (transcript-rebuilt; emitter-appended) ---
"""Pipeline reference for scband-word-only-embedding-19026705121717 (READ-ONLY COPY).

The authoritative reference and input builder live on the scoring server;
editing this copy changes nothing except your own understanding.
"""

import jax, jax.numpy as jnp
import numpy as np

VOCAB = 100000
HIDDEN = 128
PADDING_IDX = 0
B, T = 4096, 50


def setup_inputs(seed: int = 0) -> dict:
    key = jax.random.key(seed)
    k_idx, k_w = jax.random.split(key)
    x = jax.random.randint(k_idx, (B, T), 0, VOCAB, dtype=jnp.int64 if jax.config.jax_enable_x64 else jnp.int32)
    W = jax.random.normal(k_w, (VOCAB, HIDDEN), dtype=jnp.float32)
    # nn.Embedding zeros the padding_idx row at init
    W = W.at[PADDING_IDX].set(0.0)
    return {"x": x, "W": W}


def reference(x, W):
    # WordOnlyEmbedding.forward: embed = self.word_embeddings(x)
    embed = jnp.take(W, x, axis=0)
    return embed

if __name__ == "__main__":
    import jax
    _d = setup_inputs()
    print(jax.jit(kernel)(*tuple(_d.values())))

</pallas_src>

<mosaic_0001>
#map = affine_map<(d0, d1) -> (0, 0)>
#map1 = affine_map<(d0, d1) -> (0)>
module attributes {stable_mosaic.version = 14 : i64} {
  func.func @k(%arg0: i32, %arg1: i32, %arg2: memref<100000x128xf32, #tpu.memory_space<hbm>>, %arg3: memref<204800xi32, #tpu.memory_space<hbm>>, %arg4: memref<204800x128xf32, #tpu.memory_space<hbm>>, %arg5: memref<6400xi32, #tpu.memory_space<vmem>>, %arg6: memref<384x128xf32, #tpu.memory_space<vmem>>, %arg7: memref<384x128xf32, #tpu.memory_space<vmem>>, %arg8: memref<6x!tpu.dma_semaphore, #tpu.memory_space<semaphore_mem>>, %arg9: memref<2x!tpu.dma_semaphore, #tpu.memory_space<semaphore_mem>>) attributes {dimension_semantics = [#tpu.dimension_semantics<core_parallel>, #tpu.dimension_semantics<subcore_parallel>], iteration_bounds = array<i64: 2, 16>, scalar_prefetch = 0 : i64, scratch_operands = 5 : i64, tpu.core_type = #tpu.core_type<sc_vector_subcore>, window_params = [{transform_indices = #map}, {transform_indices = #map1}, {transform_indices = #map}]} {
    %mul3A = arith.constant 2 : i32
    %mul3A_0 = arith.muli %arg1, %mul3A : i32
    %add3A = arith.addi %mul3A_0, %arg0 : i32
    %mul3A_1 = arith.constant 50 : i32
    %mul3A_2 = arith.muli %add3A, %mul3A_1 : i32
    %mul3A_3 = arith.constant 128 : i32
    %mul3A_4 = arith.muli %mul3A_2, %mul3A_3 : i32
    "tpu.region"() ({
      %run_scoped3A = tpu.sem_alloc : memref<!tpu.dma_semaphore, #tpu.memory_space<semaphore_mem>>
      %dma_start3A_113 = tpu.memref_slice %arg3[%mul3A_4] : memref<204800xi32, #tpu.memory_space<hbm>> -> memref<6400xi32, #tpu.memory_space<hbm>>
      %dma_start3A_114 = tpu.memref_slice %arg3[%mul3A_4] : memref<204800xi32, #tpu.memory_space<hbm>> -> memref<6400xi32, #tpu.memory_space<hbm>>
      tpu.enqueue_dma source(%dma_start3A_114 : memref<6400xi32, #tpu.memory_space<hbm>>) target(%arg5 : memref<6400xi32, #tpu.memory_space<vmem>>) target_semaphore(%run_scoped3A : memref<!tpu.dma_semaphore, #tpu.memory_space<semaphore_mem>>)
      %dma_wait3A_115 = tpu.memref_slice %arg3[%mul3A_4] : memref<204800xi32, #tpu.memory_space<hbm>> -> memref<6400xi32, #tpu.memory_space<hbm>>
      %dma_wait3A_116 = tpu.memref_slice %arg3[%mul3A_4] : memref<204800xi32, #tpu.memory_space<hbm>> -> memref<6400xi32, #tpu.memory_space<hbm>>
      tpu.wait_dma2 semaphore(%run_scoped3A : memref<!tpu.dma_semaphore, #tpu.memory_space<semaphore_mem>>) src(%dma_wait3A_116 : memref<6400xi32, #tpu.memory_space<hbm>>) dst(%arg5 : memref<6400xi32, #tpu.memory_space<vmem>>)
      tpu.yield
    }) : () -> ()
    %dma_start3A = arith.constant 0 : i32
    %dma_start3A_5 = arith.constant 0 : i32
    %dma_start3A_6 = arith.constant 0 : i32
    %dma_start3A_7 = tpu.memref_slice %arg6[%dma_start3A_5, %dma_start3A_6] : memref<384x128xf32, #tpu.memory_space<vmem>> -> memref<128x128xf32, #tpu.memory_space<vmem>>
    %dma_start3A_8 = arith.constant 0 : i32
    %dma_start3A_9 = tpu.memref_slice %arg5[%dma_start3A_8] : memref<6400xi32, #tpu.memory_space<vmem>> -> memref<128xi32, #tpu.memory_space<vmem>>
    %dma_start3A_10 = arith.constant 0 : i32
    %dma_start3A_11 = arith.constant 0 : i32
    %dma_start3A_12 = tpu.memref_slice %arg2[%dma_start3A_10, %dma_start3A_11] : memref<100000x128xf32, #tpu.memory_space<hbm>> -> memref<100000x128xf32, #tpu.memory_space<hbm>>
    %dma_start3A_13 = tpu.memref_slice %arg8[%dma_start3A] : memref<6x!tpu.dma_semaphore, #tpu.memory_space<semaphore_mem>> -> memref<1x!tpu.dma_semaphore, #tpu.memory_space<semaphore_mem>>
    %dma_start3A_14 = tpu.memref_squeeze %dma_start3A_13 : memref<1x!tpu.dma_semaphore, #tpu.memory_space<semaphore_mem>> -> memref<!tpu.dma_semaphore, #tpu.memory_space<semaphore_mem>>
    tpu.enqueue_indirect_dma source(%dma_start3A_12 : memref<100000x128xf32, #tpu.memory_space<hbm>>) target(%dma_start3A_7 : memref<128x128xf32, #tpu.memory_space<vmem>>) offsets(%dma_start3A_9 : memref<128xi32, #tpu.memory_space<vmem>>) semaphore(%dma_start3A_14 : memref<!tpu.dma_semaphore, #tpu.memory_space<semaphore_mem>>)
    %dma_start3A_15 = arith.constant 1 : i32
    %dma_start3A_16 = arith.constant 128 : i32
    %dma_start3A_17 = arith.constant 0 : i32
    %dma_start3A_18 = tpu.memref_slice %arg6[%dma_start3A_16, %dma_start3A_17] : memref<384x128xf32, #tpu.memory_space<vmem>> -> memref<128x128xf32, #tpu.memory_space<vmem>>
    %dma_start3A_19 = arith.constant 128 : i32
    %dma_start3A_20 = tpu.memref_slice %arg5[%dma_start3A_19] : memref<6400xi32, #tpu.memory_space<vmem>> -> memref<128xi32, #tpu.memory_space<vmem>>
    %dma_start3A_21 = arith.constant 0 : i32
    %dma_start3A_22 = arith.constant 0 : i32
    %dma_start3A_23 = tpu.memref_slice %arg2[%dma_start3A_21, %dma_start3A_22] : memref<100000x128xf32, #tpu.memory_space<hbm>> -> memref<100000x128xf32, #tpu.memory_space<hbm>>
    %dma_start3A_24 = tpu.memref_slice %arg8[%dma_start3A_15] : memref<6x!tpu.dma_semaphore, #tpu.memory_space<semaphore_mem>> -> memref<1x!tpu.dma_semaphore, #tpu.memory_space<semaphore_mem>>
    %dma_start3A_25 = tpu.memref_squeeze %dma_start3A_24 : memref<1x!tpu.dma_semaphore, #tpu.memory_space<semaphore_mem>> -> memref<!tpu.dma_semaphore, #tpu.memory_space<semaphore_mem>>
    tpu.enqueue_indirect_dma source(%dma_start3A_23 : memref<100000x128xf32, #tpu.memory_space<hbm>>) target(%dma_start3A_18 : memref<128x128xf32, #tpu.memory_space<vmem>>) offsets(%dma_start3A_20 : memref<128xi32, #tpu.memory_space<vmem>>) semaphore(%dma_start3A_25 : memref<!tpu.dma_semaphore, #tpu.memory_space<semaphore_mem>>)
    %dma_start3A_26 = arith.constant 2 : i32
    %dma_start3A_27 = arith.constant 256 : i32
    %dma_start3A_28 = arith.constant 0 : i32
    %dma_start3A_29 = tpu.memref_slice %arg6[%dma_start3A_27, %dma_start3A_28] : memref<384x128xf32, #tpu.memory_space<vmem>> -> memref<128x128xf32, #tpu.memory_space<vmem>>
    %dma_start3A_30 = arith.constant 256 : i32
    %dma_start3A_31 = tpu.memref_slice %arg5[%dma_start3A_30] : memref<6400xi32, #tpu.memory_space<vmem>> -> memref<128xi32, #tpu.memory_space<vmem>>
    %dma_start3A_32 = arith.constant 0 : i32
    %dma_start3A_33 = arith.constant 0 : i32
    %dma_start3A_34 = tpu.memref_slice %arg2[%dma_start3A_32, %dma_start3A_33] : memref<100000x128xf32, #tpu.memory_space<hbm>> -> memref<100000x128xf32, #tpu.memory_space<hbm>>
    %dma_start3A_35 = tpu.memref_slice %arg8[%dma_start3A_26] : memref<6x!tpu.dma_semaphore, #tpu.memory_space<semaphore_mem>> -> memref<1x!tpu.dma_semaphore, #tpu.memory_space<semaphore_mem>>
    %dma_start3A_36 = tpu.memref_squeeze %dma_start3A_35 : memref<1x!tpu.dma_semaphore, #tpu.memory_space<semaphore_mem>> -> memref<!tpu.dma_semaphore, #tpu.memory_space<semaphore_mem>>
    tpu.enqueue_indirect_dma source(%dma_start3A_34 : memref<100000x128xf32, #tpu.memory_space<hbm>>) target(%dma_start3A_29 : memref<128x128xf32, #tpu.memory_space<vmem>>) offsets(%dma_start3A_31 : memref<128xi32, #tpu.memory_space<vmem>>) semaphore(%dma_start3A_36 : memref<!tpu.dma_semaphore, #tpu.memory_space<semaphore_mem>>)
    %scan3A = arith.constant 0 : i32
    %scan3A_37 = arith.constant 8 : i32
    %scan3A_38 = arith.addi %scan3A, %scan3A_37 : i32
    %scan3A_39 = arith.constant 1 : i32
    scf.for %scan3A_113 = %scan3A to %scan3A_38 step %scan3A_39  : i32 {
      %mul3A_114 = arith.constant 1 : i32
      %mul3A_115 = arith.muli %scan3A_113, %mul3A_114 : i32
      %add3A_116 = arith.constant 0 : i32
      %add3A_117 = arith.addi %add3A_116, %mul3A_115 : i32
      %mul3A_118 = arith.constant 2 : i32
      %mul3A_119 = arith.muli %add3A_117, %mul3A_118 : i32
      %mul3A_120 = arith.constant 3 : i32
      %mul3A_121 = arith.muli %mul3A_119, %mul3A_120 : i32
      %gt3A = arith.constant 0 : i32
      %gt3A_122 = arith.cmpi sgt, %add3A_117, %gt3A : i32
      %convert_element_type3A = arith.extui %gt3A_122 : i1 to i32
      %cond3A = arith.constant 0 : i32
      %cond3A_123 = arith.cmpi ne, %convert_element_type3A, %cond3A : i32
      scf.if %cond3A_123 {
        %sub3A = arith.constant 3 : i32
        %sub3A_348 = arith.subi %mul3A_121, %sub3A : i32
        %add3A_349 = arith.addi %mul3A_2, %sub3A_348 : i32
        %mul3A_350 = arith.constant 128 : i32
        %mul3A_351 = arith.muli %add3A_349, %mul3A_350 : i32
        %dma_wait3A_352 = arith.constant 1 : i32
        %dma_wait3A_353 = arith.constant 0 : i32
        %dma_wait3A_354 = arith.constant 0 : i32
        %dma_wait3A_355 = tpu.memref_slice %arg7[%dma_wait3A_353, %dma_wait3A_354] : memref<384x128xf32, #tpu.memory_space<vmem>> -> memref<384x128xf32, #tpu.memory_space<vmem>>
        %dma_wait3A_356 = arith.constant 0 : i32
        %dma_wait3A_357 = tpu.memref_slice %arg4[%mul3A_351, %dma_wait3A_356] : memref<204800x128xf32, #tpu.memory_space<hbm>> -> memref<384x128xf32, #tpu.memory_space<hbm>>
        %dma_wait3A_358 = tpu.memref_slice %arg9[%dma_wait3A_352] : memref<2x!tpu.dma_semaphore, #tpu.memory_space<semaphore_mem>> -> memref<1x!tpu.dma_semaphore, #tpu.memory_space<semaphore_mem>>
        %dma_wait3A_359 = tpu.memref_squeeze %dma_wait3A_358 : memref<1x!tpu.dma_semaphore, #tpu.memory_space<semaphore_mem>> -> memref<!tpu.dma_semaphore, #tpu.memory_space<semaphore_mem>>
        %dma_wait3A_360 = arith.constant 0 : i32
        %dma_wait3A_361 = tpu.memref_slice %arg4[%mul3A_351, %dma_wait3A_360] : memref<204800x128xf32, #tpu.memory_space<hbm>> -> memref<384x128xf32, #tpu.memory_space<hbm>>
        %dma_wait3A_362 = arith.constant 0 : i32
        %dma_wait3A_363 = arith.constant 0 : i32
        %dma_wait3A_364 = tpu.memref_slice %arg7[%dma_wait3A_362, %dma_wait3A_363] : memref<384x128xf32, #tpu.memory_space<vmem>> -> memref<384x128xf32, #tpu.memory_space<vmem>>
        tpu.wait_dma2 semaphore(%dma_wait3A_359 : memref<!tpu.dma_semaphore, #tpu.memory_space<semaphore_mem>>) src(%dma_wait3A_364 : memref<384x128xf32, #tpu.memory_space<vmem>>) dst(%dma_wait3A_361 : memref<384x128xf32, #tpu.memory_space<hbm>>)
      } else {
      }
      %add3A_124 = arith.constant 3 : i32
      %add3A_125 = arith.addi %mul3A_121, %add3A_124 : i32
      %add3A_126 = arith.constant 0 : i32
      %add3A_127 = arith.addi %add3A_125, %add3A_126 : i32
      %mul3A_128 = arith.constant 128 : i32
      %mul3A_129 = arith.muli %add3A_127, %mul3A_128 : i32
      %dma_start3A_130 = arith.constant 3 : i32
      %dma_start3A_131 = arith.constant 0 : i32
      %dma_start3A_132 = arith.constant 0 : i32
      %dma_start3A_133 = tpu.memref_slice %arg7[%dma_start3A_131, %dma_start3A_132] : memref<384x128xf32, #tpu.memory_space<vmem>> -> memref<128x128xf32, #tpu.memory_space<vmem>>
      %dma_start3A_134 = tpu.memref_slice %arg5[%mul3A_129] : memref<6400xi32, #tpu.memory_space<vmem>> -> memref<128xi32, #tpu.memory_space<vmem>>
      %dma_start3A_135 = arith.constant 0 : i32
      %dma_start3A_136 = arith.constant 0 : i32
      %dma_start3A_137 = tpu.memref_slice %arg2[%dma_start3A_135, %dma_start3A_136] : memref<100000x128xf32, #tpu.memory_space<hbm>> -> memref<100000x128xf32, #tpu.memory_space<hbm>>
      %dma_start3A_138 = tpu.memref_slice %arg8[%dma_start3A_130] : memref<6x!tpu.dma_semaphore, #tpu.memory_space<semaphore_mem>> -> memref<1x!tpu.dma_semaphore, #tpu.memory_space<semaphore_mem>>
      %dma_start3A_139 = tpu.memref_squeeze %dma_start3A_138 : memref<1x!tpu.dma_semaphore, #tpu.memory_space<semaphore_mem>> -> memref<!tpu.dma_semaphore, #tpu.memory_space<semaphore_mem>>
      tpu.enqueue_indirect_dma source(%dma_start3A_137 : memref<100000x128xf32, #tpu.memory_space<hbm>>) target(%dma_start3A_133 : memref<128x128xf32, #tpu.memory_space<vmem>>) offsets(%dma_start3A_134 : memref<128xi32, #tpu.memory_space<vmem>>) semaphore(%dma_start3A_139 : memref<!tpu.dma_semaphore, #tpu.memory_space<semaphore_mem>>)
      %add3A_140 = arith.constant 3 : i32
      %add3A_141 = arith.addi %mul3A_121, %add3A_140 : i32
      %add3A_142 = arith.constant 1 : i32
      %add3A_143 = arith.addi %add3A_141, %add3A_142 : i32
      %mul3A_144 = arith.constant 128 : i32
      %mul3A_145 = arith.muli %add3A_143, %mul3A_144 : i32
      %dma_start3A_146 = arith.constant 4 : i32
      %dma_start3A_147 = arith.constant 128 : i32
      %dma_start3A_148 = arith.constant 0 : i32
      %dma_start3A_149 = tpu.memref_slice %arg7[%dma_start3A_147, %dma_start3A_148] : memref<384x128xf32, #tpu.memory_space<vmem>> -> memref<128x128xf32, #tpu.memory_space<vmem>>
      %dma_start3A_150 = tpu.memref_slice %arg5[%mul3A_145] : memref<6400xi32, #tpu.memory_space<vmem>> -> memref<128xi32, #tpu.memory_space<vmem>>
      %dma_start3A_151 = arith.constant 0 : i32
      %dma_start3A_152 = arith.constant 0 : i32
      %dma_start3A_153 = tpu.memref_slice %arg2[%dma_start3A_151, %dma_start3A_152] : memref<100000x128xf32, #tpu.memory_space<hbm>> -> memref<100000x128xf32, #tpu.memory_space<hbm>>
      %dma_start3A_154 = tpu.memref_slice %arg8[%dma_start3A_146] : memref<6x!tpu.dma_semaphore, #tpu.memory_space<semaphore_mem>> -> memref<1x!tpu.dma_semaphore, #tpu.memory_space<semaphore_mem>>
      %dma_start3A_155 = tpu.memref_squeeze %dma_start3A_154 : memref<1x!tpu.dma_semaphore, #tpu.memory_space<semaphore_mem>> -> memref<!tpu.dma_semaphore, #tpu.memory_space<semaphore_mem>>
      tpu.enqueue_indirect_dma source(%dma_start3A_153 : memref<100000x128xf32, #tpu.memory_space<hbm>>) target(%dma_start3A_149 : memref<128x128xf32, #tpu.memory_space<vmem>>) offsets(%dma_start3A_150 : memref<128xi32, #tpu.memory_space<vmem>>) semaphore(%dma_start3A_155 : memref<!tpu.dma_semaphore, #tpu.memory_space<semaphore_mem>>)
      %add3A_156 = arith.constant 3 : i32
      %add3A_157 = arith.addi %mul3A_121, %add3A_156 : i32
      %add3A_158 = arith.constant 2 : i32
      %add3A_159 = arith.addi %add3A_157, %add3A_158 : i32
      %mul3A_160 = arith.constant 128 : i32
      %mul3A_161 = arith.muli %add3A_159, %mul3A_160 : i32
      %dma_start3A_162 = arith.constant 5 : i32
      %dma_start3A_163 = arith.constant 256 : i32
      %dma_start3A_164 = arith.constant 0 : i32
      %dma_start3A_165 = tpu.memref_slice %arg7[%dma_start3A_163, %dma_start3A_164] : memref<384x128xf32, #tpu.memory_space<vmem>> -> memref<128x128xf32, #tpu.memory_space<vmem>>
      %dma_start3A_166 = tpu.memref_slice %arg5[%mul3A_161] : memref<6400xi32, #tpu.memory_space<vmem>> -> memref<128xi32, #tpu.memory_space<vmem>>
      %dma_start3A_167 = arith.constant 0 : i32
      %dma_start3A_168 = arith.constant 0 : i32
      %dma_start3A_169 = tpu.memref_slice %arg2[%dma_start3A_167, %dma_start3A_168] : memref<100000x128xf32, #tpu.memory_space<hbm>> -> memref<100000x128xf32, #tpu.memory_space<hbm>>
      %dma_start3A_170 = tpu.memref_slice %arg8[%dma_start3A_162] : memref<6x!tpu.dma_semaphore, #tpu.memory_space<semaphore_mem>> -> memref<1x!tpu.dma_semaphore, #tpu.memory_space<semaphore_mem>>
      %dma_start3A_171 = tpu.memref_squeeze %dma_start3A_170 : memref<1x!tpu.dma_semaphore, #tpu.memory_space<semaphore_mem>> -> memref<!tpu.dma_semaphore, #tpu.memory_space<semaphore_mem>>
      tpu.enqueue_indirect_dma source(%dma_start3A_169 : memref<100000x128xf32, #tpu.memory_space<hbm>>) target(%dma_start3A_165 : memref<128x128xf32, #tpu.memory_space<vmem>>) offsets(%dma_start3A_166 : memref<128xi32, #tpu.memory_space<vmem>>) semaphore(%dma_start3A_171 : memref<!tpu.dma_semaphore, #tpu.memory_space<semaphore_mem>>)
      %add3A_172 = arith.constant 0 : i32
      %add3A_173 = arith.addi %mul3A_121, %add3A_172 : i32
      %mul3A_174 = arith.constant 128 : i32
      %mul3A_175 = arith.muli %add3A_173, %mul3A_174 : i32
      %dma_wait3A_176 = arith.constant 0 : i32
      %dma_wait3A_177 = arith.constant 0 : i32
      %dma_wait3A_178 = arith.constant 0 : i32
      %dma_wait3A_179 = tpu.memref_slice %arg6[%dma_wait3A_177, %dma_wait3A_178] : memref<384x128xf32, #tpu.memory_space<vmem>> -> memref<128x128xf32, #tpu.memory_space<vmem>>
      %dma_wait3A_180 = tpu.memref_slice %arg5[%mul3A_175] : memref<6400xi32, #tpu.memory_space<vmem>> -> memref<128xi32, #tpu.memory_space<vmem>>
      %dma_wait3A_181 = arith.constant 0 : i32
      %dma_wait3A_182 = arith.constant 0 : i32
      %dma_wait3A_183 = tpu.memref_slice %arg2[%dma_wait3A_181, %dma_wait3A_182] : memref<100000x128xf32, #tpu.memory_space<hbm>> -> memref<100000x128xf32, #tpu.memory_space<hbm>>
      %dma_wait3A_184 = tpu.memref_slice %arg8[%dma_wait3A_176] : memref<6x!tpu.dma_semaphore, #tpu.memory_space<semaphore_mem>> -> memref<1x!tpu.dma_semaphore, #tpu.memory_space<semaphore_mem>>
      %dma_wait3A_185 = tpu.memref_squeeze %dma_wait3A_184 : memref<1x!tpu.dma_semaphore, #tpu.memory_space<semaphore_mem>> -> memref<!tpu.dma_semaphore, #tpu.memory_space<semaphore_mem>>
      tpu.wait_indirect_dma semaphore(%dma_wait3A_185 : memref<!tpu.dma_semaphore, #tpu.memory_space<semaphore_mem>>) src(%dma_wait3A_183 : memref<100000x128xf32, #tpu.memory_space<hbm>>) dst(%dma_wait3A_179 : memref<128x128xf32, #tpu.memory_space<vmem>>)
      %add3A_186 = arith.constant 1 : i32
      %add3A_187 = arith.addi %mul3A_121, %add3A_186 : i32
      %mul3A_188 = arith.constant 128 : i32
      %mul3A_189 = arith.muli %add3A_187, %mul3A_188 : i32
      %dma_wait3A_190 = arith.constant 1 : i32
      %dma_wait3A_191 = arith.constant 128 : i32
      %dma_wait3A_192 = arith.constant 0 : i32
      %dma_wait3A_193 = tpu.memref_slice %arg6[%dma_wait3A_191, %dma_wait3A_192] : memref<384x128xf32, #tpu.memory_space<vmem>> -> memref<128x128xf32, #tpu.memory_space<vmem>>
      %dma_wait3A_194 = tpu.memref_slice %arg5[%mul3A_189] : memref<6400xi32, #tpu.memory_space<vmem>> -> memref<128xi32, #tpu.memory_space<vmem>>
      %dma_wait3A_195 = arith.constant 0 : i32
      %dma_wait3A_196 = arith.constant 0 : i32
      %dma_wait3A_197 = tpu.memref_slice %arg2[%dma_wait3A_195, %dma_wait3A_196] : memref<100000x128xf32, #tpu.memory_space<hbm>> -> memref<100000x128xf32, #tpu.memory_space<hbm>>
      %dma_wait3A_198 = tpu.memref_slice %arg8[%dma_wait3A_190] : memref<6x!tpu.dma_semaphore, #tpu.memory_space<semaphore_mem>> -> memref<1x!tpu.dma_semaphore, #tpu.memory_space<semaphore_mem>>
      %dma_wait3A_199 = tpu.memref_squeeze %dma_wait3A_198 : memref<1x!tpu.dma_semaphore, #tpu.memory_space<semaphore_mem>> -> memref<!tpu.dma_semaphore, #tpu.memory_space<semaphore_mem>>
      tpu.wait_indirect_dma semaphore(%dma_wait3A_199 : memref<!tpu.dma_semaphore, #tpu.memory_space<semaphore_mem>>) src(%dma_wait3A_197 : memref<100000x128xf32, #tpu.memory_space<hbm>>) dst(%dma_wait3A_193 : memref<128x128xf32, #tpu.memory_space<vmem>>)
      %add3A_200 = arith.constant 2 : i32
      %add3A_201 = arith.addi %mul3A_121, %add3A_200 : i32
      %mul3A_202 = arith.constant 128 : i32
      %mul3A_203 = arith.muli %add3A_201, %mul3A_202 : i32
      %dma_wait3A_204 = arith.constant 2 : i32
      %dma_wait3A_205 = arith.constant 256 : i32
      %dma_wait3A_206 = arith.constant 0 : i32
      %dma_wait3A_207 = tpu.memref_slice %arg6[%dma_wait3A_205, %dma_wait3A_206] : memref<384x128xf32, #tpu.memory_space<vmem>> -> memref<128x128xf32, #tpu.memory_space<vmem>>
      %dma_wait3A_208 = tpu.memref_slice %arg5[%mul3A_203] : memref<6400xi32, #tpu.memory_space<vmem>> -> memref<128xi32, #tpu.memory_space<vmem>>
      %dma_wait3A_209 = arith.constant 0 : i32
      %dma_wait3A_210 = arith.constant 0 : i32
      %dma_wait3A_211 = tpu.memref_slice %arg2[%dma_wait3A_209, %dma_wait3A_210] : memref<100000x128xf32, #tpu.memory_space<hbm>> -> memref<100000x128xf32, #tpu.memory_space<hbm>>
      %dma_wait3A_212 = tpu.memref_slice %arg8[%dma_wait3A_204] : memref<6x!tpu.dma_semaphore, #tpu.memory_space<semaphore_mem>> -> memref<1x!tpu.dma_semaphore, #tpu.memory_space<semaphore_mem>>
      %dma_wait3A_213 = tpu.memref_squeeze %dma_wait3A_212 : memref<1x!tpu.dma_semaphore, #tpu.memory_space<semaphore_mem>> -> memref<!tpu.dma_semaphore, #tpu.memory_space<semaphore_mem>>
      tpu.wait_indirect_dma semaphore(%dma_wait3A_213 : memref<!tpu.dma_semaphore, #tpu.memory_space<semaphore_mem>>) src(%dma_wait3A_211 : memref<100000x128xf32, #tpu.memory_space<hbm>>) dst(%dma_wait3A_207 : memref<128x128xf32, #tpu.memory_space<vmem>>)
      %add3A_214 = arith.addi %mul3A_2, %mul3A_121 : i32
      %mul3A_215 = arith.constant 128 : i32
      %mul3A_216 = arith.muli %add3A_214, %mul3A_215 : i32
      %dma_start3A_217 = arith.constant 0 : i32
      %dma_start3A_218 = arith.constant 0 : i32
      %dma_start3A_219 = arith.constant 0 : i32
      %dma_start3A_220 = tpu.memref_slice %arg6[%dma_start3A_218, %dma_start3A_219] : memref<384x128xf32, #tpu.memory_space<vmem>> -> memref<384x128xf32, #tpu.memory_space<vmem>>
      %dma_start3A_221 = arith.constant 0 : i32
      %dma_start3A_222 = tpu.memref_slice %arg4[%mul3A_216, %dma_start3A_221] : memref<204800x128xf32, #tpu.memory_space<hbm>> -> memref<384x128xf32, #tpu.memory_space<hbm>>
      %dma_start3A_223 = tpu.memref_slice %arg9[%dma_start3A_217] : memref<2x!tpu.dma_semaphore, #tpu.memory_space<semaphore_mem>> -> memref<1x!tpu.dma_semaphore, #tpu.memory_space<semaphore_mem>>
      %dma_start3A_224 = tpu.memref_squeeze %dma_start3A_223 : memref<1x!tpu.dma_semaphore, #tpu.memory_space<semaphore_mem>> -> memref<!tpu.dma_semaphore, #tpu.memory_space<semaphore_mem>>
      %dma_start3A_225 = arith.constant 0 : i32
      %dma_start3A_226 = tpu.memref_slice %arg4[%mul3A_216, %dma_start3A_225] : memref<204800x128xf32, #tpu.memory_space<hbm>> -> memref<384x128xf32, #tpu.memory_space<hbm>>
      %dma_start3A_227 = arith.constant 0 : i32
      %dma_start3A_228 = arith.constant 0 : i32
      %dma_start3A_229 = tpu.memref_slice %arg6[%dma_start3A_227, %dma_start3A_228] : memref<384x128xf32, #tpu.memory_space<vmem>> -> memref<384x128xf32, #tpu.memory_space<vmem>>
      tpu.enqueue_dma source(%dma_start3A_229 : memref<384x128xf32, #tpu.memory_space<vmem>>) target(%dma_start3A_226 : memref<384x128xf32, #tpu.memory_space<hbm>>) target_semaphore(%dma_start3A_224 : memref<!tpu.dma_semaphore, #tpu.memory_space<semaphore_mem>>)
      %add3A_230 = arith.addi %mul3A_2, %mul3A_121 : i32
      %mul3A_231 = arith.constant 128 : i32
      %mul3A_232 = arith.muli %add3A_230, %mul3A_231 : i32
      %dma_wait3A_233 = arith.constant 0 : i32
      %dma_wait3A_234 = arith.constant 0 : i32
      %dma_wait3A_235 = arith.constant 0 : i32
      %dma_wait3A_236 = tpu.memref_slice %arg6[%dma_wait3A_234, %dma_wait3A_235] : memref<384x128xf32, #tpu.memory_space<vmem>> -> memref<384x128xf32, #tpu.memory_space<vmem>>
      %dma_wait3A_237 = arith.constant 0 : i32
      %dma_wait3A_238 = tpu.memref_slice %arg4[%mul3A_232, %dma_wait3A_237] : memref<204800x128xf32, #tpu.memory_space<hbm>> -> memref<384x128xf32, #tpu.memory_space<hbm>>
      %dma_wait3A_239 = tpu.memref_slice %arg9[%dma_wait3A_233] : memref<2x!tpu.dma_semaphore, #tpu.memory_space<semaphore_mem>> -> memref<1x!tpu.dma_semaphore, #tpu.memory_space<semaphore_mem>>
      %dma_wait3A_240 = tpu.memref_squeeze %dma_wait3A_239 : memref<1x!tpu.dma_semaphore, #tpu.memory_space<semaphore_mem>> -> memref<!tpu.dma_semaphore, #tpu.memory_space<semaphore_mem>>
      %dma_wait3A_241 = arith.constant 0 : i32
      %dma_wait3A_242 = tpu.memref_slice %arg4[%mul3A_232, %dma_wait3A_241] : memref<204800x128xf32, #tpu.memory_space<hbm>> -> memref<384x128xf32, #tpu.memory_space<hbm>>
      %dma_wait3A_243 = arith.constant 0 : i32
      %dma_wait3A_244 = arith.constant 0 : i32
      %dma_wait3A_245 = tpu.memref_slice %arg6[%dma_wait3A_243, %dma_wait3A_244] : memref<384x128xf32, #tpu.memory_space<vmem>> -> memref<384x128xf32, #tpu.memory_space<vmem>>
      tpu.wait_dma2 semaphore(%dma_wait3A_240 : memref<!tpu.dma_semaphore, #tpu.memory_space<semaphore_mem>>) src(%dma_wait3A_245 : memref<384x128xf32, #tpu.memory_space<vmem>>) dst(%dma_wait3A_242 : memref<384x128xf32, #tpu.memory_space<hbm>>)
      %add3A_246 = arith.constant 6 : i32
      %add3A_247 = arith.addi %mul3A_121, %add3A_246 : i32
      %add3A_248 = arith.constant 0 : i32
      %add3A_249 = arith.addi %add3A_247, %add3A_248 : i32
      %mul3A_250 = arith.constant 128 : i32
      %mul3A_251 = arith.muli %add3A_249, %mul3A_250 : i32
      %dma_start3A_252 = arith.constant 0 : i32
      %dma_start3A_253 = arith.constant 0 : i32
      %dma_start3A_254 = arith.constant 0 : i32
      %dma_start3A_255 = tpu.memref_slice %arg6[%dma_start3A_253, %dma_start3A_254] : memref<384x128xf32, #tpu.memory_space<vmem>> -> memref<128x128xf32, #tpu.memory_space<vmem>>
      %dma_start3A_256 = tpu.memref_slice %arg5[%mul3A_251] : memref<6400xi32, #tpu.memory_space<vmem>> -> memref<128xi32, #tpu.memory_space<vmem>>
      %dma_start3A_257 = arith.constant 0 : i32
      %dma_start3A_258 = arith.constant 0 : i32
      %dma_start3A_259 = tpu.memref_slice %arg2[%dma_start3A_257, %dma_start3A_258] : memref<100000x128xf32, #tpu.memory_space<hbm>> -> memref<100000x128xf32, #tpu.memory_space<hbm>>
      %dma_start3A_260 = tpu.memref_slice %arg8[%dma_start3A_252] : memref<6x!tpu.dma_semaphore, #tpu.memory_space<semaphore_mem>> -> memref<1x!tpu.dma_semaphore, #tpu.memory_space<semaphore_mem>>
      %dma_start3A_261 = tpu.memref_squeeze %dma_start3A_260 : memref<1x!tpu.dma_semaphore, #tpu.memory_space<semaphore_mem>> -> memref<!tpu.dma_semaphore, #tpu.memory_space<semaphore_mem>>
      tpu.enqueue_indirect_dma source(%dma_start3A_259 : memref<100000x128xf32, #tpu.memory_space<hbm>>) target(%dma_start3A_255 : memref<128x128xf32, #tpu.memory_space<vmem>>) offsets(%dma_start3A_256 : memref<128xi32, #tpu.memory_space<vmem>>) semaphore(%dma_start3A_261 : memref<!tpu.dma_semaphore, #tpu.memory_space<semaphore_mem>>)
      %add3A_262 = arith.constant 6 : i32
      %add3A_263 = arith.addi %mul3A_121, %add3A_262 : i32
      %add3A_264 = arith.constant 1 : i32
      %add3A_265 = arith.addi %add3A_263, %add3A_264 : i32
      %mul3A_266 = arith.constant 128 : i32
      %mul3A_267 = arith.muli %add3A_265, %mul3A_266 : i32
      %dma_start3A_268 = arith.constant 1 : i32
      %dma_start3A_269 = arith.constant 128 : i32
      %dma_start3A_270 = arith.constant 0 : i32
      %dma_start3A_271 = tpu.memref_slice %arg6[%dma_start3A_269, %dma_start3A_270] : memref<384x128xf32, #tpu.memory_space<vmem>> -> memref<128x128xf32, #tpu.memory_space<vmem>>
      %dma_start3A_272 = tpu.memref_slice %arg5[%mul3A_267] : memref<6400xi32, #tpu.memory_space<vmem>> -> memref<128xi32, #tpu.memory_space<vmem>>
      %dma_start3A_273 = arith.constant 0 : i32
      %dma_start3A_274 = arith.constant 0 : i32
      %dma_start3A_275 = tpu.memref_slice %arg2[%dma_start3A_273, %dma_start3A_274] : memref<100000x128xf32, #tpu.memory_space<hbm>> -> memref<100000x128xf32, #tpu.memory_space<hbm>>
      %dma_start3A_276 = tpu.memref_slice %arg8[%dma_start3A_268] : memref<6x!tpu.dma_semaphore, #tpu.memory_space<semaphore_mem>> -> memref<1x!tpu.dma_semaphore, #tpu.memory_space<semaphore_mem>>
      %dma_start3A_277 = tpu.memref_squeeze %dma_start3A_276 : memref<1x!tpu.dma_semaphore, #tpu.memory_space<semaphore_mem>> -> memref<!tpu.dma_semaphore, #tpu.memory_space<semaphore_mem>>
      tpu.enqueue_indirect_dma source(%dma_start3A_275 : memref<100000x128xf32, #tpu.memory_space<hbm>>) target(%dma_start3A_271 : memref<128x128xf32, #tpu.memory_space<vmem>>) offsets(%dma_start3A_272 : memref<128xi32, #tpu.memory_space<vmem>>) semaphore(%dma_start3A_277 : memref<!tpu.dma_semaphore, #tpu.memory_space<semaphore_mem>>)
      %lt3A = arith.constant 7 : i32
      %lt3A_278 = arith.cmpi slt, %add3A_117, %lt3A : i32
      %convert_element_type3A_279 = arith.extui %lt3A_278 : i1 to i32
      %cond3A_280 = arith.constant 0 : i32
      %cond3A_281 = arith.cmpi ne, %convert_element_type3A_279, %cond3A_280 : i32
      scf.if %cond3A_281 {
        %add3A_348 = arith.constant 6 : i32
        %add3A_349 = arith.addi %mul3A_121, %add3A_348 : i32
        %add3A_350 = arith.constant 2 : i32
        %add3A_351 = arith.addi %add3A_349, %add3A_350 : i32
        %mul3A_352 = arith.constant 128 : i32
        %mul3A_353 = arith.muli %add3A_351, %mul3A_352 : i32
        %dma_start3A_354 = arith.constant 2 : i32
        %dma_start3A_355 = arith.constant 256 : i32
        %dma_start3A_356 = arith.constant 0 : i32
        %dma_start3A_357 = tpu.memref_slice %arg6[%dma_start3A_355, %dma_start3A_356] : memref<384x128xf32, #tpu.memory_space<vmem>> -> memref<128x128xf32, #tpu.memory_space<vmem>>
        %dma_start3A_358 = tpu.memref_slice %arg5[%mul3A_353] : memref<6400xi32, #tpu.memory_space<vmem>> -> memref<128xi32, #tpu.memory_space<vmem>>
        %dma_start3A_359 = arith.constant 0 : i32
        %dma_start3A_360 = arith.constant 0 : i32
        %dma_start3A_361 = tpu.memref_slice %arg2[%dma_start3A_359, %dma_start3A_360] : memref<100000x128xf32, #tpu.memory_space<hbm>> -> memref<100000x128xf32, #tpu.memory_space<hbm>>
        %dma_start3A_362 = tpu.memref_slice %arg8[%dma_start3A_354] : memref<6x!tpu.dma_semaphore, #tpu.memory_space<semaphore_mem>> -> memref<1x!tpu.dma_semaphore, #tpu.memory_space<semaphore_mem>>
        %dma_start3A_363 = tpu.memref_squeeze %dma_start3A_362 : memref<1x!tpu.dma_semaphore, #tpu.memory_space<semaphore_mem>> -> memref<!tpu.dma_semaphore, #tpu.memory_space<semaphore_mem>>
        tpu.enqueue_indirect_dma source(%dma_start3A_361 : memref<100000x128xf32, #tpu.memory_space<hbm>>) target(%dma_start3A_357 : memref<128x128xf32, #tpu.memory_space<vmem>>) offsets(%dma_start3A_358 : memref<128xi32, #tpu.memory_space<vmem>>) semaphore(%dma_start3A_363 : memref<!tpu.dma_semaphore, #tpu.memory_space<semaphore_mem>>)
      } else {
      }
      %add3A_282 = arith.constant 3 : i32
      %add3A_283 = arith.addi %mul3A_121, %add3A_282 : i32
      %add3A_284 = arith.constant 0 : i32
      %add3A_285 = arith.addi %add3A_283, %add3A_284 : i32
      %mul3A_286 = arith.constant 128 : i32
      %mul3A_287 = arith.muli %add3A_285, %mul3A_286 : i32
      %dma_wait3A_288 = arith.constant 3 : i32
      %dma_wait3A_289 = arith.constant 0 : i32
      %dma_wait3A_290 = arith.constant 0 : i32
      %dma_wait3A_291 = tpu.memref_slice %arg7[%dma_wait3A_289, %dma_wait3A_290] : memref<384x128xf32, #tpu.memory_space<vmem>> -> memref<128x128xf32, #tpu.memory_space<vmem>>
      %dma_wait3A_292 = tpu.memref_slice %arg5[%mul3A_287] : memref<6400xi32, #tpu.memory_space<vmem>> -> memref<128xi32, #tpu.memory_space<vmem>>
      %dma_wait3A_293 = arith.constant 0 : i32
      %dma_wait3A_294 = arith.constant 0 : i32
      %dma_wait3A_295 = tpu.memref_slice %arg2[%dma_wait3A_293, %dma_wait3A_294] : memref<100000x128xf32, #tpu.memory_space<hbm>> -> memref<100000x128xf32, #tpu.memory_space<hbm>>
      %dma_wait3A_296 = tpu.memref_slice %arg8[%dma_wait3A_288] : memref<6x!tpu.dma_semaphore, #tpu.memory_space<semaphore_mem>> -> memref<1x!tpu.dma_semaphore, #tpu.memory_space<semaphore_mem>>
      %dma_wait3A_297 = tpu.memref_squeeze %dma_wait3A_296 : memref<1x!tpu.dma_semaphore, #tpu.memory_space<semaphore_mem>> -> memref<!tpu.dma_semaphore, #tpu.memory_space<semaphore_mem>>
      tpu.wait_indirect_dma semaphore(%dma_wait3A_297 : memref<!tpu.dma_semaphore, #tpu.memory_space<semaphore_mem>>) src(%dma_wait3A_295 : memref<100000x128xf32, #tpu.memory_space<hbm>>) dst(%dma_wait3A_291 : memref<128x128xf32, #tpu.memory_space<vmem>>)
      %add3A_298 = arith.constant 3 : i32
      %add3A_299 = arith.addi %mul3A_121, %add3A_298 : i32
      %add3A_300 = arith.constant 1 : i32
      %add3A_301 = arith.addi %add3A_299, %add3A_300 : i32
      %mul3A_302 = arith.constant 128 : i32
      %mul3A_303 = arith.muli %add3A_301, %mul3A_302 : i32
      %dma_wait3A_304 = arith.constant 4 : i32
      %dma_wait3A_305 = arith.constant 128 : i32
      %dma_wait3A_306 = arith.constant 0 : i32
      %dma_wait3A_307 = tpu.memref_slice %arg7[%dma_wait3A_305, %dma_wait3A_306] : memref<384x128xf32, #tpu.memory_space<vmem>> -> memref<128x128xf32, #tpu.memory_space<vmem>>
      %dma_wait3A_308 = tpu.memref_slice %arg5[%mul3A_303] : memref<6400xi32, #tpu.memory_space<vmem>> -> memref<128xi32, #tpu.memory_space<vmem>>
      %dma_wait3A_309 = arith.constant 0 : i32
      %dma_wait3A_310 = arith.constant 0 : i32
      %dma_wait3A_311 = tpu.memref_slice %arg2[%dma_wait3A_309, %dma_wait3A_310] : memref<100000x128xf32, #tpu.memory_space<hbm>> -> memref<100000x128xf32, #tpu.memory_space<hbm>>
      %dma_wait3A_312 = tpu.memref_slice %arg8[%dma_wait3A_304] : memref<6x!tpu.dma_semaphore, #tpu.memory_space<semaphore_mem>> -> memref<1x!tpu.dma_semaphore, #tpu.memory_space<semaphore_mem>>
      %dma_wait3A_313 = tpu.memref_squeeze %dma_wait3A_312 : memref<1x!tpu.dma_semaphore, #tpu.memory_space<semaphore_mem>> -> memref<!tpu.dma_semaphore, #tpu.memory_space<semaphore_mem>>
      tpu.wait_indirect_dma semaphore(%dma_wait3A_313 : memref<!tpu.dma_semaphore, #tpu.memory_space<semaphore_mem>>) src(%dma_wait3A_311 : memref<100000x128xf32, #tpu.memory_space<hbm>>) dst(%dma_wait3A_307 : memref<128x128xf32, #tpu.memory_space<vmem>>)
      %add3A_314 = arith.constant 3 : i32
      %add3A_315 = arith.addi %mul3A_121, %add3A_314 : i32
      %add3A_316 = arith.constant 2 : i32
      %add3A_317 = arith.addi %add3A_315, %add3A_316 : i32
      %mul3A_318 = arith.constant 128 : i32
      %mul3A_319 = arith.muli %add3A_317, %mul3A_318 : i32
      %dma_wait3A_320 = arith.constant 5 : i32
      %dma_wait3A_321 = arith.constant 256 : i32
      %dma_wait3A_322 = arith.constant 0 : i32
      %dma_wait3A_323 = tpu.memref_slice %arg7[%dma_wait3A_321, %dma_wait3A_322] : memref<384x128xf32, #tpu.memory_space<vmem>> -> memref<128x128xf32, #tpu.memory_space<vmem>>
      %dma_wait3A_324 = tpu.memref_slice %arg5[%mul3A_319] : memref<6400xi32, #tpu.memory_space<vmem>> -> memref<128xi32, #tpu.memory_space<vmem>>
      %dma_wait3A_325 = arith.constant 0 : i32
      %dma_wait3A_326 = arith.constant 0 : i32
      %dma_wait3A_327 = tpu.memref_slice %arg2[%dma_wait3A_325, %dma_wait3A_326] : memref<100000x128xf32, #tpu.memory_space<hbm>> -> memref<100000x128xf32, #tpu.memory_space<hbm>>
      %dma_wait3A_328 = tpu.memref_slice %arg8[%dma_wait3A_320] : memref<6x!tpu.dma_semaphore, #tpu.memory_space<semaphore_mem>> -> memref<1x!tpu.dma_semaphore, #tpu.memory_space<semaphore_mem>>
      %dma_wait3A_329 = tpu.memref_squeeze %dma_wait3A_328 : memref<1x!tpu.dma_semaphore, #tpu.memory_space<semaphore_mem>> -> memref<!tpu.dma_semaphore, #tpu.memory_space<semaphore_mem>>
      tpu.wait_indirect_dma semaphore(%dma_wait3A_329 : memref<!tpu.dma_semaphore, #tpu.memory_space<semaphore_mem>>) src(%dma_wait3A_327 : memref<100000x128xf32, #tpu.memory_space<hbm>>) dst(%dma_wait3A_323 : memref<128x128xf32, #tpu.memory_space<vmem>>)
      %add3A_330 = arith.constant 3 : i32
      %add3A_331 = arith.addi %mul3A_121, %add3A_330 : i32
      %add3A_332 = arith.addi %mul3A_2, %add3A_331 : i32
      %mul3A_333 = arith.constant 128 : i32
      %mul3A_334 = arith.muli %add3A_332, %mul3A_333 : i32
      %dma_start3A_335 = arith.constant 1 : i32
      %dma_start3A_336 = arith.constant 0 : i32
      %dma_start3A_337 = arith.constant 0 : i32
      %dma_start3A_338 = tpu.memref_slice %arg7[%dma_start3A_336, %dma_start3A_337] : memref<384x128xf32, #tpu.memory_space<vmem>> -> memref<384x128xf32, #tpu.memory_space<vmem>>
      %dma_start3A_339 = arith.constant 0 : i32
      %dma_start3A_340 = tpu.memref_slice %arg4[%mul3A_334, %dma_start3A_339] : memref<204800x128xf32, #tpu.memory_space<hbm>> -> memref<384x128xf32, #tpu.memory_space<hbm>>
      %dma_start3A_341 = tpu.memref_slice %arg9[%dma_start3A_335] : memref<2x!tpu.dma_semaphore, #tpu.memory_space<semaphore_mem>> -> memref<1x!tpu.dma_semaphore, #tpu.memory_space<semaphore_mem>>
      %dma_start3A_342 = tpu.memref_squeeze %dma_start3A_341 : memref<1x!tpu.dma_semaphore, #tpu.memory_space<semaphore_mem>> -> memref<!tpu.dma_semaphore, #tpu.memory_space<semaphore_mem>>
      %dma_start3A_343 = arith.constant 0 : i32
      %dma_start3A_344 = tpu.memref_slice %arg4[%mul3A_334, %dma_start3A_343] : memref<204800x128xf32, #tpu.memory_space<hbm>> -> memref<384x128xf32, #tpu.memory_space<hbm>>
      %dma_start3A_345 = arith.constant 0 : i32
      %dma_start3A_346 = arith.constant 0 : i32
      %dma_start3A_347 = tpu.memref_slice %arg7[%dma_start3A_345, %dma_start3A_346] : memref<384x128xf32, #tpu.memory_space<vmem>> -> memref<384x128xf32, #tpu.memory_space<vmem>>
      tpu.enqueue_dma source(%dma_start3A_347 : memref<384x128xf32, #tpu.memory_space<vmem>>) target(%dma_start3A_344 : memref<384x128xf32, #tpu.memory_space<hbm>>) target_semaphore(%dma_start3A_342 : memref<!tpu.dma_semaphore, #tpu.memory_space<semaphore_mem>>)
    }
    %scan3A_40 = arith.constant 8 : i32
    %add3A_41 = arith.constant 45 : i32
    %add3A_42 = arith.addi %mul3A_2, %add3A_41 : i32
    %mul3A_43 = arith.constant 128 : i32
    %mul3A_44 = arith.muli %add3A_42, %mul3A_43 : i32
    %dma_wait3A = arith.constant 1 : i32
    %dma_wait3A_45 = arith.constant 0 : i32
    %dma_wait3A_46 = arith.constant 0 : i32
    %dma_wait3A_47 = tpu.memref_slice %arg7[%dma_wait3A_45, %dma_wait3A_46] : memref<384x128xf32, #tpu.memory_space<vmem>> -> memref<384x128xf32, #tpu.memory_space<vmem>>
    %dma_wait3A_48 = arith.constant 0 : i32
    %dma_wait3A_49 = tpu.memref_slice %arg4[%mul3A_44, %dma_wait3A_48] : memref<204800x128xf32, #tpu.memory_space<hbm>> -> memref<384x128xf32, #tpu.memory_space<hbm>>
    %dma_wait3A_50 = tpu.memref_slice %arg9[%dma_wait3A] : memref<2x!tpu.dma_semaphore, #tpu.memory_space<semaphore_mem>> -> memref<1x!tpu.dma_semaphore, #tpu.memory_space<semaphore_mem>>
    %dma_wait3A_51 = tpu.memref_squeeze %dma_wait3A_50 : memref<1x!tpu.dma_semaphore, #tpu.memory_space<semaphore_mem>> -> memref<!tpu.dma_semaphore, #tpu.memory_space<semaphore_mem>>
    %dma_wait3A_52 = arith.constant 0 : i32
    %dma_wait3A_53 = tpu.memref_slice %arg4[%mul3A_44, %dma_wait3A_52] : memref<204800x128xf32, #tpu.memory_space<hbm>> -> memref<384x128xf32, #tpu.memory_space<hbm>>
    %dma_wait3A_54 = arith.constant 0 : i32
    %dma_wait3A_55 = arith.constant 0 : i32
    %dma_wait3A_56 = tpu.memref_slice %arg7[%dma_wait3A_54, %dma_wait3A_55] : memref<384x128xf32, #tpu.memory_space<vmem>> -> memref<384x128xf32, #tpu.memory_space<vmem>>
    tpu.wait_dma2 semaphore(%dma_wait3A_51 : memref<!tpu.dma_semaphore, #tpu.memory_space<semaphore_mem>>) src(%dma_wait3A_56 : memref<384x128xf32, #tpu.memory_space<vmem>>) dst(%dma_wait3A_53 : memref<384x128xf32, #tpu.memory_space<hbm>>)
    %dma_wait3A_57 = arith.constant 0 : i32
    %dma_wait3A_58 = arith.constant 0 : i32
    %dma_wait3A_59 = arith.constant 0 : i32
    %dma_wait3A_60 = tpu.memref_slice %arg6[%dma_wait3A_58, %dma_wait3A_59] : memref<384x128xf32, #tpu.memory_space<vmem>> -> memref<128x128xf32, #tpu.memory_space<vmem>>
    %dma_wait3A_61 = arith.constant 6144 : i32
    %dma_wait3A_62 = tpu.memref_slice %arg5[%dma_wait3A_61] : memref<6400xi32, #tpu.memory_space<vmem>> -> memref<128xi32, #tpu.memory_space<vmem>>
    %dma_wait3A_63 = arith.constant 0 : i32
    %dma_wait3A_64 = arith.constant 0 : i32
    %dma_wait3A_65 = tpu.memref_slice %arg2[%dma_wait3A_63, %dma_wait3A_64] : memref<100000x128xf32, #tpu.memory_space<hbm>> -> memref<100000x128xf32, #tpu.memory_space<hbm>>
    %dma_wait3A_66 = tpu.memref_slice %arg8[%dma_wait3A_57] : memref<6x!tpu.dma_semaphore, #tpu.memory_space<semaphore_mem>> -> memref<1x!tpu.dma_semaphore, #tpu.memory_space<semaphore_mem>>
    %dma_wait3A_67 = tpu.memref_squeeze %dma_wait3A_66 : memref<1x!tpu.dma_semaphore, #tpu.memory_space<semaphore_mem>> -> memref<!tpu.dma_semaphore, #tpu.memory_space<semaphore_mem>>
    tpu.wait_indirect_dma semaphore(%dma_wait3A_67 : memref<!tpu.dma_semaphore, #tpu.memory_space<semaphore_mem>>) src(%dma_wait3A_65 : memref<100000x128xf32, #tpu.memory_space<hbm>>) dst(%dma_wait3A_60 : memref<128x128xf32, #tpu.memory_space<vmem>>)
    %dma_wait3A_68 = arith.constant 1 : i32
    %dma_wait3A_69 = arith.constant 128 : i32
    %dma_wait3A_70 = arith.constant 0 : i32
    %dma_wait3A_71 = tpu.memref_slice %arg6[%dma_wait3A_69, %dma_wait3A_70] : memref<384x128xf32, #tpu.memory_space<vmem>> -> memref<128x128xf32, #tpu.memory_space<vmem>>
    %dma_wait3A_72 = arith.constant 6272 : i32
    %dma_wait3A_73 = tpu.memref_slice %arg5[%dma_wait3A_72] : memref<6400xi32, #tpu.memory_space<vmem>> -> memref<128xi32, #tpu.memory_space<vmem>>
    %dma_wait3A_74 = arith.constant 0 : i32
    %dma_wait3A_75 = arith.constant 0 : i32
    %dma_wait3A_76 = tpu.memref_slice %arg2[%dma_wait3A_74, %dma_wait3A_75] : memref<100000x128xf32, #tpu.memory_space<hbm>> -> memref<100000x128xf32, #tpu.memory_space<hbm>>
    %dma_wait3A_77 = tpu.memref_slice %arg8[%dma_wait3A_68] : memref<6x!tpu.dma_semaphore, #tpu.memory_space<semaphore_mem>> -> memref<1x!tpu.dma_semaphore, #tpu.memory_space<semaphore_mem>>
    %dma_wait3A_78 = tpu.memref_squeeze %dma_wait3A_77 : memref<1x!tpu.dma_semaphore, #tpu.memory_space<semaphore_mem>> -> memref<!tpu.dma_semaphore, #tpu.memory_space<semaphore_mem>>
    tpu.wait_indirect_dma semaphore(%dma_wait3A_78 : memref<!tpu.dma_semaphore, #tpu.memory_space<semaphore_mem>>) src(%dma_wait3A_76 : memref<100000x128xf32, #tpu.memory_space<hbm>>) dst(%dma_wait3A_71 : memref<128x128xf32, #tpu.memory_space<vmem>>)
    %add3A_79 = arith.constant 48 : i32
    %add3A_80 = arith.addi %mul3A_2, %add3A_79 : i32
    %mul3A_81 = arith.constant 128 : i32
    %mul3A_82 = arith.muli %add3A_80, %mul3A_81 : i32
    %dma_start3A_83 = arith.constant 0 : i32
    %dma_start3A_84 = arith.constant 0 : i32
    %dma_start3A_85 = arith.constant 0 : i32
    %dma_start3A_86 = tpu.memref_slice %arg6[%dma_start3A_84, %dma_start3A_85] : memref<384x128xf32, #tpu.memory_space<vmem>> -> memref<256x128xf32, #tpu.memory_space<vmem>>
    %dma_start3A_87 = arith.constant 0 : i32
    %dma_start3A_88 = tpu.memref_slice %arg4[%mul3A_82, %dma_start3A_87] : memref<204800x128xf32, #tpu.memory_space<hbm>> -> memref<256x128xf32, #tpu.memory_space<hbm>>
    %dma_start3A_89 = tpu.memref_slice %arg9[%dma_start3A_83] : memref<2x!tpu.dma_semaphore, #tpu.memory_space<semaphore_mem>> -> memref<1x!tpu.dma_semaphore, #tpu.memory_space<semaphore_mem>>
    %dma_start3A_90 = tpu.memref_squeeze %dma_start3A_89 : memref<1x!tpu.dma_semaphore, #tpu.memory_space<semaphore_mem>> -> memref<!tpu.dma_semaphore, #tpu.memory_space<semaphore_mem>>
    %dma_start3A_91 = arith.constant 0 : i32
    %dma_start3A_92 = tpu.memref_slice %arg4[%mul3A_82, %dma_start3A_91] : memref<204800x128xf32, #tpu.memory_space<hbm>> -> memref<256x128xf32, #tpu.memory_space<hbm>>
    %dma_start3A_93 = arith.constant 0 : i32
    %dma_start3A_94 = arith.constant 0 : i32
    %dma_start3A_95 = tpu.memref_slice %arg6[%dma_start3A_93, %dma_start3A_94] : memref<384x128xf32, #tpu.memory_space<vmem>> -> memref<256x128xf32, #tpu.memory_space<vmem>>
    tpu.enqueue_dma source(%dma_start3A_95 : memref<256x128xf32, #tpu.memory_space<vmem>>) target(%dma_start3A_92 : memref<256x128xf32, #tpu.memory_space<hbm>>) target_semaphore(%dma_start3A_90 : memref<!tpu.dma_semaphore, #tpu.memory_space<semaphore_mem>>)
    %add3A_96 = arith.constant 48 : i32
    %add3A_97 = arith.addi %mul3A_2, %add3A_96 : i32
    %mul3A_98 = arith.constant 128 : i32
    %mul3A_99 = arith.muli %add3A_97, %mul3A_98 : i32
    %dma_wait3A_100 = arith.constant 0 : i32
    %dma_wait3A_101 = arith.constant 0 : i32
    %dma_wait3A_102 = arith.constant 0 : i32
    %dma_wait3A_103 = tpu.memref_slice %arg6[%dma_wait3A_101, %dma_wait3A_102] : memref<384x128xf32, #tpu.memory_space<vmem>> -> memref<256x128xf32, #tpu.memory_space<vmem>>
    %dma_wait3A_104 = arith.constant 0 : i32
    %dma_wait3A_105 = tpu.memref_slice %arg4[%mul3A_99, %dma_wait3A_104] : memref<204800x128xf32, #tpu.memory_space<hbm>> -> memref<256x128xf32, #tpu.memory_space<hbm>>
    %dma_wait3A_106 = tpu.memref_slice %arg9[%dma_wait3A_100] : memref<2x!tpu.dma_semaphore, #tpu.memory_space<semaphore_mem>> -> memref<1x!tpu.dma_semaphore, #tpu.memory_space<semaphore_mem>>
    %dma_wait3A_107 = tpu.memref_squeeze %dma_wait3A_106 : memref<1x!tpu.dma_semaphore, #tpu.memory_space<semaphore_mem>> -> memref<!tpu.dma_semaphore, #tpu.memory_space<semaphore_mem>>
    %dma_wait3A_108 = arith.constant 0 : i32
    %dma_wait3A_109 = tpu.memref_slice %arg4[%mul3A_99, %dma_wait3A_108] : memref<204800x128xf32, #tpu.memory_space<hbm>> -> memref<256x128xf32, #tpu.memory_space<hbm>>
    %dma_wait3A_110 = arith.constant 0 : i32
    %dma_wait3A_111 = arith.constant 0 : i32
    %dma_wait3A_112 = tpu.memref_slice %arg6[%dma_wait3A_110, %dma_wait3A_111] : memref<384x128xf32, #tpu.memory_space<vmem>> -> memref<256x128xf32, #tpu.memory_space<vmem>>
    tpu.wait_dma2 semaphore(%dma_wait3A_107 : memref<!tpu.dma_semaphore, #tpu.memory_space<semaphore_mem>>) src(%dma_wait3A_112 : memref<256x128xf32, #tpu.memory_space<vmem>>) dst(%dma_wait3A_109 : memref<256x128xf32, #tpu.memory_space<hbm>>)
    return
  }
}

</mosaic_0001>

<sc_bundles>
// kernel: _sc_gather.3.cloned.1.call-start
scs
__scs_entry_jumppad:
0x0: {  	(pc) =	sbr.rel $0x88, $3  }
0x1: {  	(tag) =	ssettag $0x0;
	lr =	simm.s32 $0x1  }
0x2: {  	[smem:$0x3F9F] =	sst lr;
	_ =	strace $0xD0000000  }
0x3: {  	_ = 	snop  }
0x4: {  	_ = 	snop  }
0x5: {  	_ = 	snop  }
0x6: {  	_ = 	snop  }
0x7: {  	_ = 	snop  }
__scs_overlays_trampoline_lowered:
0x8: {  	[smem:$0x3FAE] =	sst s0  }
0x9: {  	[smem:$0x3FAF] =	sst s1  }
0xa: {  	[smem:$0x3FB0] =	sst s2  }
0xb: {  	[smem:$0x3FB1] =	sst s3  }
0xc: {  	[smem:$0x3FB2] =	sst s4  }
0xd: {  	[smem:$0x3FB3] =	sst s5  }
0xe: {  	[smem:$0x3FB4] =	sst s6  }
0xf: {  	[smem:$0x3FB5] =	sst s7  }
0x10: {  	[smem:$0x3FB6] =	sst s8  }
0x11: {  	[smem:$0x3FB7] =	sst s9;
	s0 =	simm.s32 @!p0 $0x0  }
0x12: {  	s1 =	sld [smem:$0x3F9D];
	s0 =	simm.s32 @p0 $0x1  }
0x13: {  	[smem:$0x3FB8] =	sst s0;
	s0 =	simm.s32 @!p1 $0x0  }
0x14: {  	s2 =	sld [smem:$0x3F9C];
	s0 =	simm.s32 @p1 $0x1  }
0x15: {  	[smem:$0x3FB9] =	sst s0;
	s0 =	simm.s32 @!p2 $0x0  }
0x16: {  	s3 =	sld [smem:$0x3FDB];
	s0 =	simm.s32 @p2 $0x1  }
0x17: {  	s4 =	simm.s32 $0x1BF5;
	[smem:$0x3FBB] =	sst s0  }
0x18: {  	s0 =	sld [smem:$0x3F9E];
	_ =	swait.ge [sflag:s4], $0x0  }
0x19: {  	s7 =	sld [smem:$0x3F9F]  }
0x1a: {  	s8 =	sadd.s32 $0xFFFFE003, lr  }
0x1b: {  	s9 =	sadd.s32 $0xFFFFFEF7, lr;
	s5 =	simm.s32 $0xFFFFFFFF;
	p2 =	slt.u32 s8, $0xFFFFF086  }
0x1c: {  	p1 =	slt.u32 s9, $0xF7A;
	s5 =	simm.s32 @!p2 $0x0  }
0x1d: {  	s5 =	simm.s32 @p1 $0x1;
	p0 =	seq.s32 s7, s2  }
0x1e: {  	s7 =	smul.u32 @!p0 $0xF7A, s2;
	p2 =	seq.s32 @!p0 s5, $0x0  }
0x1f: {  	s9 =	smul.u32 $0xF7A, s1;
	s8 =	simm.s32 @!p0 $0x1BF5;
	p2 =	por !p2, p0  }
0x20: {  	[sflag:s8] =	ssyncset.s32 @!p0 $0xFFFFF086;
	s6 =	sadd.s32 @!p0 s3, s7;
	s7 =	simm.s32 @!p0 $0x108  }
0x21: {  	s3 =	sadd.s32 s3, s9;
	s6 =	sadd.s32 @!p0 $0x88, s6;
	s7 =	simm.s32 @p2 $0x1082  }
0x22: {  	[simem:s7], [sflag:s8] =	dma.local @!p0 [hbm:s6], $0xF7A  }
0x23: {  	s9 =	sor.u32 $0xD0000000, s2;
	s6 =	simm.s32 $0x108;
	_ =	swait.ge @!p0 [sflag:s8], $0x0  }
0x24: {  	s3 =	sadd.s32 $0x88, s3;
	s6 =	simm.s32 @!p1 $0x1082;
	[sflag:s4] =	ssyncset.s32 $0xFFFFF086  }
0x25: {  	[simem:s6], [sflag:s4] =	dma.local [hbm:s3], $0xF7A  }
0x26: {  	[smem:$0x3F9F] =	sst s1;
	(tag) =	ssettag s2;
	_ =	strace s9  }
0x27: {  	s1 =	sld [smem:$0x3FAF]  }
0x28: {  	s2 =	sld [smem:$0x3FB0]  }
0x29: {  	s4 =	sld [smem:$0x3FB2]  }
0x2a: {  	p0 =	seq.s32 s5, $0x0;
	s5 =	sld [smem:$0x3FB3]  }
0x2b: {  	s6 =	sld [smem:$0x3FB4]  }
0x2c: {  	s7 =	sld [smem:$0x3FB5]  }
0x2d: {  	s3 =	simm.s32 $0x108;
	s8 =	sld [smem:$0x3FB6]  }
0x2e: {  	s3 =	simm.s32 @!p0 $0x1082;
	s9 =	sld [smem:$0x3FB7]  }
0x2f: {  	lr =	sadd.s32 s0, s3;
	s0 =	sld [smem:$0x3FAE]  }
0x30: {  	s3 =	sld [smem:$0x3FB1]  }
0x31: {  	[smem:$0x3FBA] =	sst s10  }
0x32: {  	s10 =	sld [smem:$0x3FB8];
	_ =	sdelay $0x3  }
0x33: {  	p0 =	seq.s32 s10, $0x1;
	s10 =	sld [smem:$0x3FBA];
	_ =	sdelay $0x3  }
0x34: {  	[smem:$0x3FBA] =	sst s10  }
0x35: {  	s10 =	sld [smem:$0x3FB9];
	_ =	sdelay $0x3  }
0x36: {  	p1 =	seq.s32 s10, $0x1;
	s10 =	sld [smem:$0x3FBA];
	_ =	sdelay $0x3  }
0x37: {  	[smem:$0x3FBA] =	sst s10  }
0x38: {  	s10 =	sld [smem:$0x3FBB]  }
0x39: {  	_ = 	snop;
	(pc) =	sbr.ind lr, $3  }
0x3a: {  	_ = 	snop  }
0x3b: {  	_ = 	snop  }
0x3c: {  	p2 =	seq.s32 s10, $0x1;
	s10 =	sld [smem:$0x3FBA]  }
0x3d: {  	_ =	shalt  }
0x3e: {  	_ =	shalt  }
0x3f: {  	_ =	shalt  }
0x40: {  	_ =	shalt  }
0x41: {  	_ =	shalt  }
0x42: {  	_ =	shalt  }
0x43: {  	_ =	shalt  }
0x44: {  	_ =	shalt  }
0x45: {  	_ =	shalt  }
0x46: {  	_ =	shalt  }
0x47: {  	_ =	shalt  }
0x48: {  	_ =	shalt  }
0x49: {  	_ =	shalt  }
0x4a: {  	_ =	shalt  }
0x4b: {  	_ =	shalt  }
0x4c: {  	_ =	shalt  }
0x4d: {  	_ =	shalt  }
0x4e: {  	_ =	shalt  }
0x4f: {  	_ =	shalt  }
0x50: {  	_ =	shalt  }
0x51: {  	_ =	shalt  }
0x52: {  	_ =	shalt  }
0x53: {  	_ =	shalt  }
0x54: {  	_ =	shalt  }
0x55: {  	_ =	shalt  }
0x56: {  	_ =	shalt  }
0x57: {  	_ =	shalt  }
0x58: {  	_ =	shalt  }
0x59: {  	_ =	shalt  }
0x5a: {  	_ =	shalt  }
0x5b: {  	_ =	shalt  }
0x5c: {  	_ =	shalt  }
0x5d: {  	_ =	shalt  }
0x5e: {  	_ =	shalt  }
0x5f: {  	_ =	shalt  }
0x60: {  	_ =	shalt  }
0x61: {  	_ =	shalt  }
0x62: {  	_ =	shalt  }
0x63: {  	_ =	shalt  }
0x64: {  	_ =	shalt  }
0x65: {  	_ =	shalt  }
0x66: {  	_ =	shalt  }
0x67: {  	_ =	shalt  }
0x68: {  	_ =	shalt  }
0x69: {  	_ =	shalt  }
0x6a: {  	_ =	shalt  }
0x6b: {  	_ =	shalt  }
0x6c: {  	_ =	shalt  }
0x6d: {  	_ =	shalt  }
0x6e: {  	_ =	shalt  }
0x6f: {  	_ =	shalt  }
0x70: {  	_ =	shalt  }
0x71: {  	_ =	shalt  }
0x72: {  	_ =	shalt  }
0x73: {  	_ =	shalt  }
0x74: {  	_ =	shalt  }
0x75: {  	_ =	shalt  }
0x76: {  	_ =	shalt  }
0x77: {  	_ =	shalt  }
0x78: {  	_ =	shalt  }
0x79: {  	_ =	shalt  }
0x7a: {  	_ =	shalt  }
0x7b: {  	_ =	shalt  }
0x7c: {  	_ =	shalt  }
0x7d: {  	_ =	shalt  }
0x7e: {  	_ =	shalt  }
0x7f: {  	_ =	shalt  }
0x80: {  	_ =	shalt  }
0x81: {  	_ =	shalt  }
0x82: {  	_ =	shalt  }
0x83: {  	_ =	shalt  }
0x84: {  	_ =	shalt  }
0x85: {  	_ =	shalt  }
0x86: {  	_ =	shalt  }
0x87: {  	_ =	shalt  }
.Lfunc_end0:
.L_simem_size_0:
called_computation_lowered:
.L_overlay_start_0:
0x88: {  	s2 =	sld [smem:$0x3FD9]  }
0x89: {  	s3 =	sld [smem:$0x3FFE];
	_ =	sdelay $0x1  }
0x8a: {  	s1 =	srdreg.scid  }
0x8b: {  	s0 =	sand.u32 $0x1, s1  }
0x8c: {  	s18 =	sshll.u32 s0, $0xA;
	s2 =	sadd.s32 s3, s2  }
0x8d: {  	s2 =	sadd.s32 s2, s18  }
0x8e: {  	[smem:$0x3FC6] =	sst s2  }
0x8f: {  	_ = 	snop  }
0x90: {  	s2 =	sld [smem:$0x3FC9]  }
0x91: {  	s19 =	sld [smem:$0x3FC8]  }
0x92: {  	s4 =	sld [smem:$0x3FD0];
	(tm) =	ssettm $0x1  }
0x93: {  	s5 =	sld [smem:$0x3FFB];
	_ =	sdelay $0x3  }
0x94: {  	_ =	strace s5  }
0x95: {  	s5 =	sld [smem:$0x3FFC];
	_ =	sdelay $0x3  }
0x96: {  	_ =	strace s5  }
0x97: {  	s5 =	sld [smem:$0x3FFD];
	_ =	sdelay $0x3  }
0x98: {  	_ =	strace s5  }
0x99: {  	_ =	strace $0x8FFFFFFF  }
0x9a: {  	s20 =	sld [smem:$0x3FDB];
	_ =	sdelay $0x1  }
0x9b: {  	s6 =	simm.s32 $_scs_section_size  }
0x9c: {  	s7 =	simm.s32 $_size__tile_overlayer_lowered;
	s8 =	simm.s32 $_tile_overlayer_lowered  }
0x9d: {  	s23 =	simm.s32 $0x1BFF;
	s22 =	sshll.u32 s8, $0x1;
	s5 =	sadd.s32 s6, s20  }
0x9e: {  	s9 =	simm.s32 $0x0;
	s21 =	sshll.u32 s7, $0x1;
	s7 =	sadd.s32 s22, s5  }
0x9f: {  	[timem:s9], [sflag:s23] =	dma.local [hbm:s7], s21  }
0xa0: {  	_ =	swait.ge [sflag:s23], s21  }
0xa1: {  	s6 =	ssub.s32 $0x0, s21;
	[sflag:s23] =	ssyncset.done $0x0  }
0xa2: {  	[sflag:s23] =	ssyncadd.s32 s6;
	_ =	sdelay $0x1  }
0xa3: {  	s24 =	simm.s32 $0x1B8B  }
0xa4: {  	_ =	swait.ge [sflag:s24], $0x1  }
0xa5: {  	[sflag:s24] =	ssyncset.done $0x0  }
0xa6: {  	s25 =	simm.s32 $0x1B8E;
	[sflag:s24] =	ssyncadd.s32 $0xFFFFFFFF  }
0xa7: {  	s26 =	simm.s32 $execute0_lowered;
	[smem:$0x3FD2] =	sst s25  }
0xa8: {  	s6 =	sshll.u32 s26, $0x1;
	_ =	strace $0x80000046;
	[dreg:$0x1] =	wrdreg $0xFFFFFFFF  }
0xa9: {  	s28 =	simm.s32 $_size_execute0_lowered;
	s5 =	sadd.s32 s5, s6;
	[dreg:$0x0] =	wrdreg $0x0  }
0xaa: {  	s6 =	sshll.u32 s28, $0x1;
	[dreg:$0x2] =	wrdreg s5  }
0xab: {  	[dreg:$0x3] =	wrdreg s6  }
0xac: {  	[dreg:$0x4] =	wrdreg $0xC0  }
0xad: {  	_ =	task [dreg:s9], $0x5FFFF  }
0xae: {  	[dreg:$0x1] =	wrdreg $0xFFFFFFFF  }
0xaf: {  	[dreg:$0x0] =	wrdreg $0x60  }
0xb0: {  	[dreg:$0x2] =	wrdreg s2  }
0xb1: {  	[dreg:$0x3] =	wrdreg s19  }
0xb2: {  	[dreg:$0x4] =	wrdreg s4  }
0xb3: {  	[dreg:$0x5] =	wrdreg $0x9  }
0xb4: {  	_ =	task.clear_ibuf [dreg:s9], $0x6FFFF;
	_ =	strace $0x90000046  }
0xb5: {  	s29 =	simm.s32 $0x9;
	_ =	strace $0x80000048  }
0xb6: {  	_ =	swait.ge [sflag:s29], $0x1  }
0xb7: {  	[sflag:s29] =	ssyncadd.s32 $0xFFFFFFFF  }
0xb8: {  	_ =	strace $0x90000048  }
0xb9: {  	_ =	sfence  }
0xba: {  	s30 =	sld [smem:$0x0];
	_ =	sdelay $0x2  }
0xbb: {  	s31 =	sshll.u32 s1, $0xD;
	s1 =	sshrl.u32 s1, $0x2  }
0xbc: {  	s3 =	sand.u32 $0x4000, s31;
	s1 =	sadd.s32 s1, s30  }
0xbd: {  	s0 =	sor.u32 s3, s0;
	s1 =	sshll.u32 s1, $0x11  }
0xbe: {  	s0 =	sor.u32 s1, s0  }
0xbf: {  	s0 =	sadd.s32 $0x8F2B, s0  }
0xc0: {  	[sflag:s0] =	ssyncadd.remote.s32 $0x1  }
0xc1: {  	_ =	sfence.sel $0xFFFF  }
0xc2: {  	[dreg:$0x0] =	wrdreg $0xFFFFFFFF;
	(pc) =	sbr.abs _section_cstart, $3  }
0xc3: {  	[dreg:$0x1] =	wrdreg $0xFFFFFFFF  }
0xc4: {  	_ =	task.clear_ibuf [dreg:s9], $0x2FFFF;
	_ =	strace $0x9FFFFFFF  }
0xc5: {  	(tm) =	ssettm $0x7FFFFFFF  }
tec
execute0_lowered:
.L_overlay_start_1:
0x0: {  	(tag) =	ssettag $0x1  }
0x1: {  	s1 =	rddreg [dreg:$0x0]  }
0x2: {  	s0 =	rddreg [dreg:$0x1];
	s2 =	srdreg.scid  }
0x3: {  	s11 =	stileid.u32;
	s4 =	rddreg [dreg:$0x2];
	s3 =	simm.s32 $0x0  }
0x4: {  	s13 =	simm.s32 $0x9;
	s14 =	simm.s32 $0x80;
	s15 =	simm.s32 $0x1900  }
0x5: {  	s16 =	simm.s32 $0x5900;
	s18 =	simm.s32 $0x9900;
	s20 =	simm.s32 $0xD900  }
0x6: {  	s28 =	simm.s32 $0x3;
	s29 =	simm.s32 $0x7;
	s23 =	smul.u32 $0x64, s11  }
0x7: {  	s17 =	simm.s32 $0x5;
	s2 =	sand.u32 $0x1, s2;
	s31 =	smul.u32 $0x32000, s11  }
0x8: {  	s19 =	simm.s32 $0x6;
	s5 =	sshll.u32 s11, $0x1;
	s25 =	smul.u32 $0x32, s2  }
0x9: {  	s5 =	sor.u32 s2, s5;
	s7 =	ssub.s32 $0x2, s2;
	s2 =	smul.u32 $0x19000, s2  }
0xa: {  	s21 =	simm.s32 $0x8;
	[smem:$0x7FF] =	sst s3;
	s6 =	smul.u32 $0xC8000, s5  }
0xb: {  	s30 =	simm.s32 $0x0;
	_ =	strace $0x80000047;
	s8 =	smul.u32 $0x320, s5  }
0xc: {  	s9 =	sshrl.u32 s7, $0x1;
	s10 =	smul.u32 $0x19000, s5;
	s11 =	sadd.s32 s31, s4  }
0xd: {  	s7 =	ssub.s32 s7, s9;
	s2 =	sadd.s32 s2, s11;
	s6 =	sshrl.u32 s6, $0x3  }
0xe: {  	s0 =	sadd.s32 s0, s8;
	s26 =	smax.u32 s7, $0x1;
	s7 =	sadd.s32 s4, s10  }
0xf: {  	s11 =	sadd.s32 $0x3000, s2;
	s22 =	sadd.s32 s4, s6;
	[dreg:$0x4] =	wrdreg s0  }
0x10: {  	[dreg:$0x6] =	wrdreg s26;
	s8 =	sadd.s32 $0x1800, s7;
	s0 =	sadd.s32 s25, s23  }
0x11: {  	s9 =	sadd.s32 $0x15000, s7;
	s10 =	sadd.s32 $0x16800, s7;
	s25 =	simm.s32 $0x1  }
0x12: {  	s26 =	simm.s32 $0x2;
	s24 =	sadd.s32 $0x18000, s22;
	s0 =	sshll.u32 s0, $0xB  }
0x13: {  	s22 =	simm.s32 $0x11900;
	[dreg:$0x5] =	wrdreg s24;
	s0 =	sadd.s32 s4, s0  }
0x14: {  	s24 =	simm.s32 $0x15900;
	s4 =	sadd.s32 $0x4800, s0;
	s0 =	simm.s32 $0x4  }
.LBB2_1:
0x15: {  	s2 =	rddreg [dreg:$0x4]  }
0x16: {  	[tilespmem:s3], [sflag:$0x9] =	stream.linear.gather [hbm4b:s2+s3], $0x1900, $0x38;
	[tilespmem:$0x19900] =	vst v63  }
0x17: {  	_ =	swait.ge [sflag:s13], $0x1900  }
0x18: {  	[sflag:s13] =	ssyncset.done $0x0  }
0x19: {  	[sflag:s13] =	ssyncadd.s32 $0xFFFFE700  }
0x1a: {  	[tilespmem:s15], [sflag:$0x1] =	stream.indirect.gather [hbm4b:s1+s14], $0x80, s3, s14, $0xb8;
	[tilespmem:$0x19900] =	vst v63  }
0x1b: {  	_ = 	snop  }
0x1c: {  	[tilespmem:s16], [sflag:$0x2] =	stream.indirect.gather [hbm4b:s1+s14], $0x80, s14, s14, $0xb8;
	[tilespmem:$0x19900] =	vst v63  }
0x1d: {  	s23 =	simm.s32 $0x100  }
0x1e: {  	[tilespmem:s18], [sflag:$0x3] =	stream.indirect.gather [hbm4b:s1+s14], $0x80, s23, s14, $0xb8;
	[tilespmem:$0x19900] =	vst v63  }
0x1f: {  	s5 =	simm.s32 $0x180  }
0x20: {  	[tilespmem:s20], [sflag:$0x4] =	stream.indirect.gather [hbm4b:s1+s14], $0x80, s5, s14, $0xb8;
	[tilespmem:$0x19900] =	vst v63  }
0x21: {  	s6 =	simm.s32 $0x200  }
0x22: {  	[tilespmem:s22], [sflag:$0x5] =	stream.indirect.gather [hbm4b:s1+s14], $0x80, s6, s14, $0xb8;
	[tilespmem:$0x19900] =	vst v63  }
0x23: {  	s12 =	simm.s32 $0x280  }
0x24: {  	[tilespmem:s24], [sflag:$0x6] =	stream.indirect.gather [hbm4b:s1+s14], $0x80, s12, s14, $0xb8;
	[tilespmem:$0x19900] =	vst v63  }
0x25: {  	_ =	swait.ge [sflag:s25], $0x4000  }
0x26: {  	[sflag:s25] =	ssyncset.done $0x0  }
0x27: {  	[sflag:s25] =	ssyncadd.s32 $0xFFFFC000  }
0x28: {  	_ =	swait.ge [sflag:s26], $0x4000  }
0x29: {  	[sflag:s26] =	ssyncset.done $0x0  }
0x2a: {  	[sflag:s26] =	ssyncadd.s32 $0xFFFFC000  }
0x2b: {  	_ =	swait.ge [sflag:s28], $0x4000  }
0x2c: {  	[sflag:s28] =	ssyncset.done $0x0  }
0x2d: {  	[sflag:s28] =	ssyncadd.s32 $0xFFFFC000  }
0x2e: {  	[hbm4b:s7+s3] =	stream.linear.scatter [tilespmem:s15], [sflag:$0x7], $0xC000, $0x38;
	[tilespmem:$0x19900] =	vst v63  }
0x2f: {  	_ =	swait.ge [sflag:s29], $0xC000  }
0x30: {  	[sflag:s29] =	ssyncset.done $0x0  }
0x31: {  	s23 =	simm.s32 $0x300;
	[sflag:s29] =	ssyncadd.s32 $0xFFFF4000  }
0x32: {  	[tilespmem:s15], [sflag:$0x1] =	stream.indirect.gather [hbm4b:s1+s14], $0x80, s23, s14, $0xb8;
	[tilespmem:$0x19900] =	vst v63  }
0x33: {  	s5 =	simm.s32 $0x380  }
0x34: {  	[tilespmem:s16], [sflag:$0x2] =	stream.indirect.gather [hbm4b:s1+s14], $0x80, s5, s14, $0xb8;
	[tilespmem:$0x19900] =	vst v63  }
0x35: {  	s6 =	simm.s32 $0x400  }
0x36: {  	[tilespmem:s18], [sflag:$0x3] =	stream.indirect.gather [hbm4b:s1+s14], $0x80, s6, s14, $0xb8;
	[tilespmem:$0x19900] =	vst v63  }
0x37: {  	_ =	swait.ge [sflag:s0], $0x4000  }
0x38: {  	[sflag:s0] =	ssyncset.done $0x0  }
0x39: {  	[sflag:s0] =	ssyncadd.s32 $0xFFFFC000  }
0x3a: {  	_ =	swait.ge [sflag:s17], $0x4000  }
0x3b: {  	[sflag:s17] =	ssyncset.done $0x0  }
0x3c: {  	[sflag:s17] =	ssyncadd.s32 $0xFFFFC000  }
0x3d: {  	_ =	swait.ge [sflag:s19], $0x4000  }
0x3e: {  	[sflag:s19] =	ssyncset.done $0x0  }
0x3f: {  	[sflag:s19] =	ssyncadd.s32 $0xFFFFC000  }
0x40: {  	[hbm4b:s8+s3] =	stream.linear.scatter [tilespmem:s20], [sflag:$0x8], $0xC000, $0x38;
	[tilespmem:$0x19900] =	vst v63  }
0x41: {  	_ =	swait.ge [sflag:s21], $0xC000  }
0x42: {  	[sflag:s21] =	ssyncset.done $0x0  }
0x43: {  	s12 =	simm.s32 $0x480;
	[sflag:s21] =	ssyncadd.s32 $0xFFFF4000  }
0x44: {  	[tilespmem:s20], [sflag:$0x4] =	stream.indirect.gather [hbm4b:s1+s14], $0x80, s12, s14, $0xb8;
	[tilespmem:$0x19900] =	vst v63  }
0x45: {  	s23 =	simm.s32 $0x500  }
0x46: {  	[tilespmem:s22], [sflag:$0x5] =	stream.indirect.gather [hbm4b:s1+s14], $0x80, s23, s14, $0xb8;
	[tilespmem:$0x19900] =	vst v63  }
0x47: {  	s5 =	simm.s32 $0x580  }
0x48: {  	[tilespmem:s24], [sflag:$0x6] =	stream.indirect.gather [hbm4b:s1+s14], $0x80, s5, s14, $0xb8;
	[tilespmem:$0x19900] =	vst v63  }
0x49: {  	_ =	swait.ge [sflag:s25], $0x4000  }
0x4a: {  	[sflag:s25] =	ssyncset.done $0x0  }
0x4b: {  	[sflag:s25] =	ssyncadd.s32 $0xFFFFC000  }
0x4c: {  	_ =	swait.ge [sflag:s26], $0x4000  }
0x4d: {  	[sflag:s26] =	ssyncset.done $0x0  }
0x4e: {  	[sflag:s26] =	ssyncadd.s32 $0xFFFFC000  }
0x4f: {  	_ =	swait.ge [sflag:s28], $0x4000  }
0x50: {  	[sflag:s28] =	ssyncset.done $0x0  }
0x51: {  	[sflag:s28] =	ssyncadd.s32 $0xFFFFC000  }
0x52: {  	[hbm4b:s11+s3] =	stream.linear.scatter [tilespmem:s15], [sflag:$0x7], $0xC000, $0x38;
	[tilespmem:$0x19900] =	vst v63  }
0x53: {  	_ =	swait.ge [sflag:s29], $0xC000  }
0x54: {  	[sflag:s29] =	ssyncset.done $0x0  }
0x55: {  	s6 =	simm.s32 $0x600;
	[sflag:s29] =	ssyncadd.s32 $0xFFFF4000  }
0x56: {  	[tilespmem:s15], [sflag:$0x1] =	stream.indirect.gather [hbm4b:s1+s14], $0x80, s6, s14, $0xb8;
	[tilespmem:$0x19900] =	vst v63  }
0x57: {  	s12 =	simm.s32 $0x680  }
0x58: {  	[tilespmem:s16], [sflag:$0x2] =	stream.indirect.gather [hbm4b:s1+s14], $0x80, s12, s14, $0xb8;
	[tilespmem:$0x19900] =	vst v63  }
0x59: {  	s23 =	simm.s32 $0x700  }
0x5a: {  	[tilespmem:s18], [sflag:$0x3] =	stream.indirect.gather [hbm4b:s1+s14], $0x80, s23, s14, $0xb8;
	[tilespmem:$0x19900] =	vst v63  }
0x5b: {  	_ =	swait.ge [sflag:s0], $0x4000  }
0x5c: {  	[sflag:s0] =	ssyncset.done $0x0  }
0x5d: {  	[sflag:s0] =	ssyncadd.s32 $0xFFFFC000  }
0x5e: {  	_ =	swait.ge [sflag:s17], $0x4000  }
0x5f: {  	[sflag:s17] =	ssyncset.done $0x0  }
0x60: {  	[sflag:s17] =	ssyncadd.s32 $0xFFFFC000  }
0x61: {  	_ =	swait.ge [sflag:s19], $0x4000  }
0x62: {  	s31 =	simm.s32 $0xC00;
	s2 =	sadd.s32 $0x3000, s11;
	[sflag:s19] =	ssyncset.done $0x0  }
0x63: {  	s12 =	smov.u32 s4;
	s23 =	sadd.s32 $0x3000, s4;
	[sflag:s19] =	ssyncadd.s32 $0xFFFFC000  }
.LBB2_2:
0x64: {  	[hbm4b:s12+s3] =	stream.linear.scatter [tilespmem:s20], [sflag:$0x8], $0xC000, $0x38;
	[tilespmem:$0x19900] =	vst v63  }
0x65: {  	s12 =	smov.u32 s31;
	s31 =	sadd.s32 $0xC00, s31;
	_ =	swait.ge [sflag:s21], $0xC000  }
0x66: {  	s5 =	sshra.s32 s12, $0x2;
	p0 =	sne.s32 s31, $0x4800;
	[sflag:s21] =	ssyncset.done $0x0  }
0x67: {  	s12 =	smov.u32 s23;
	s6 =	sadd.s32 $0x480, s5;
	[sflag:s21] =	ssyncadd.s32 $0xFFFF4000  }
0x68: {  	[tilespmem:s20], [sflag:$0x4] =	stream.indirect.gather [hbm4b:s1+s14], $0x80, s6, s14, $0xb8;
	[tilespmem:$0x19900] =	vst v63  }
0x69: {  	s6 =	sadd.s32 $0x500, s5  }
0x6a: {  	[tilespmem:s22], [sflag:$0x5] =	stream.indirect.gather [hbm4b:s1+s14], $0x80, s6, s14, $0xb8;
	[tilespmem:$0x19900] =	vst v63  }
0x6b: {  	s6 =	sadd.s32 $0x580, s5  }
0x6c: {  	[tilespmem:s24], [sflag:$0x6] =	stream.indirect.gather [hbm4b:s1+s14], $0x80, s6, s14, $0xb8;
	[tilespmem:$0x19900] =	vst v63  }
0x6d: {  	_ =	swait.ge [sflag:s25], $0x4000  }
0x6e: {  	[sflag:s25] =	ssyncset.done $0x0  }
0x6f: {  	[sflag:s25] =	ssyncadd.s32 $0xFFFFC000  }
0x70: {  	_ =	swait.ge [sflag:s26], $0x4000  }
0x71: {  	[sflag:s26] =	ssyncset.done $0x0  }
0x72: {  	[sflag:s26] =	ssyncadd.s32 $0xFFFFC000  }
0x73: {  	_ =	swait.ge [sflag:s28], $0x4000  }
0x74: {  	[sflag:s28] =	ssyncset.done $0x0  }
0x75: {  	[sflag:s28] =	ssyncadd.s32 $0xFFFFC000  }
0x76: {  	[hbm4b:s2+s3] =	stream.linear.scatter [tilespmem:s15], [sflag:$0x7], $0xC000, $0x38;
	[tilespmem:$0x19900] =	vst v63  }
0x77: {  	_ =	swait.ge [sflag:s29], $0xC000  }
0x78: {  	[sflag:s29] =	ssyncset.done $0x0  }
0x79: {  	s6 =	sadd.s32 $0x600, s5;
	[sflag:s29] =	ssyncadd.s32 $0xFFFF4000  }
0x7a: {  	[tilespmem:s15], [sflag:$0x1] =	stream.indirect.gather [hbm4b:s1+s14], $0x80, s6, s14, $0xb8;
	[tilespmem:$0x19900] =	vst v63  }
0x7b: {  	s6 =	sadd.s32 $0x680, s5  }
0x7c: {  	[tilespmem:s16], [sflag:$0x2] =	stream.indirect.gather [hbm4b:s1+s14], $0x80, s6, s14, $0xb8;
	[tilespmem:$0x19900] =	vst v63  }
0x7d: {  	s5 =	sadd.s32 $0x700, s5  }
0x7e: {  	[tilespmem:s18], [sflag:$0x3] =	stream.indirect.gather [hbm4b:s1+s14], $0x80, s5, s14, $0xb8;
	[tilespmem:$0x19900] =	vst v63  }
0x7f: {  	_ =	swait.ge [sflag:s0], $0x4000  }
0x80: {  	[sflag:s0] =	ssyncset.done $0x0  }
0x81: {  	[sflag:s0] =	ssyncadd.s32 $0xFFFFC000  }
0x82: {  	_ =	swait.ge [sflag:s17], $0x4000  }
.Ltmp0:
0x83: {  	[sflag:s17] =	ssyncset.done $0x0;
	(pc) =	sbr.rel @p0 .LBB2_2-.Ltmp0, $4  }
0x84: {  	[sflag:s17] =	ssyncadd.s32 $0xFFFFC000  }
0x85: {  	_ =	swait.ge [sflag:s19], $0x4000  }
0x86: {  	[sflag:s19] =	ssyncset.done $0x0  }
0x87: {  	s23 =	sadd.s32 $0x3000, s23;
	s2 =	sadd.s32 $0x3000, s2;
	[sflag:s19] =	ssyncadd.s32 $0xFFFFC000  }
0x88: {  	[hbm4b:s12+s3] =	stream.linear.scatter [tilespmem:s20], [sflag:$0x8], $0xC000, $0x38;
	[tilespmem:$0x19900] =	vst v63  }
0x89: {  	_ =	swait.ge [sflag:s21], $0xC000  }
0x8a: {  	[sflag:s21] =	ssyncset.done $0x0  }
0x8b: {  	s2 =	simm.s32 $0x1680;
	s31 =	sshra.s32 s31, $0x2;
	[sflag:s21] =	ssyncadd.s32 $0xFFFF4000  }
0x8c: {  	[tilespmem:s20], [sflag:$0x4] =	stream.indirect.gather [hbm4b:s1+s14], $0x80, s2, s14, $0xb8;
	[tilespmem:$0x19900] =	vst v63  }
0x8d: {  	s5 =	sadd.s32 $0x500, s31  }
0x8e: {  	[tilespmem:s22], [sflag:$0x5] =	stream.indirect.gather [hbm4b:s1+s14], $0x80, s5, s14, $0xb8;
	[tilespmem:$0x19900] =	vst v63  }
0x8f: {  	s6 =	sadd.s32 $0x580, s31  }
0x90: {  	[tilespmem:s24], [sflag:$0x6] =	stream.indirect.gather [hbm4b:s1+s14], $0x80, s6, s14, $0xb8;
	[tilespmem:$0x19900] =	vst v63  }
0x91: {  	_ =	swait.ge [sflag:s25], $0x4000  }
0x92: {  	[sflag:s25] =	ssyncset.done $0x0  }
0x93: {  	[sflag:s25] =	ssyncadd.s32 $0xFFFFC000  }
0x94: {  	_ =	swait.ge [sflag:s26], $0x4000  }
0x95: {  	[sflag:s26] =	ssyncset.done $0x0  }
0x96: {  	[sflag:s26] =	ssyncadd.s32 $0xFFFFC000  }
0x97: {  	_ =	swait.ge [sflag:s28], $0x4000  }
0x98: {  	[sflag:s28] =	ssyncset.done $0x0  }
0x99: {  	[sflag:s28] =	ssyncadd.s32 $0xFFFFC000  }
0x9a: {  	[hbm4b:s9+s3] =	stream.linear.scatter [tilespmem:s15], [sflag:$0x7], $0xC000, $0x38;
	[tilespmem:$0x19900] =	vst v63  }
0x9b: {  	_ =	swait.ge [sflag:s29], $0xC000  }
0x9c: {  	[sflag:s29] =	ssyncset.done $0x0  }
0x9d: {  	s12 =	sadd.s32 $0x600, s31;
	[sflag:s29] =	ssyncadd.s32 $0xFFFF4000  }
0x9e: {  	[tilespmem:s15], [sflag:$0x1] =	stream.indirect.gather [hbm4b:s1+s14], $0x80, s12, s14, $0xb8;
	[tilespmem:$0x19900] =	vst v63  }
0x9f: {  	s2 =	sadd.s32 $0x680, s31  }
0xa0: {  	[tilespmem:s16], [sflag:$0x2] =	stream.indirect.gather [hbm4b:s1+s14], $0x80, s2, s14, $0xb8;
	[tilespmem:$0x19900] =	vst v63  }
0xa1: {  	_ =	swait.ge [sflag:s0], $0x4000  }
0xa2: {  	[sflag:s0] =	ssyncset.done $0x0  }
0xa3: {  	[sflag:s0] =	ssyncadd.s32 $0xFFFFC000  }
0xa4: {  	_ =	swait.ge [sflag:s17], $0x4000  }
0xa5: {  	[sflag:s17] =	ssyncset.done $0x0  }
0xa6: {  	[sflag:s17] =	ssyncadd.s32 $0xFFFFC000  }
0xa7: {  	_ =	swait.ge [sflag:s19], $0x4000  }
0xa8: {  	[sflag:s19] =	ssyncset.done $0x0  }
0xa9: {  	[sflag:s19] =	ssyncadd.s32 $0xFFFFC000  }
0xaa: {  	[hbm4b:s10+s3] =	stream.linear.scatter [tilespmem:s20], [sflag:$0x8], $0xC000, $0x38;
	[tilespmem:$0x19900] =	vst v63  }
0xab: {  	_ =	swait.ge [sflag:s21], $0xC000  }
0xac: {  	[sflag:s21] =	ssyncset.done $0x0  }
0xad: {  	[sflag:s21] =	ssyncadd.s32 $0xFFFF4000  }
0xae: {  	_ =	swait.ge [sflag:s25], $0x4000  }
0xaf: {  	[sflag:s25] =	ssyncset.done $0x0  }
0xb0: {  	[sflag:s25] =	ssyncadd.s32 $0xFFFFC000  }
0xb1: {  	_ =	swait.ge [sflag:s26], $0x4000  }
0xb2: {  	[sflag:s26] =	ssyncset.done $0x0  }
0xb3: {  	s23 =	rddreg [dreg:$0x5];
	[sflag:s26] =	ssyncadd.s32 $0xFFFFC000  }
0xb4: {  	[hbm4b:s23+s3] =	stream.linear.scatter [tilespmem:s15], [sflag:$0x7], $0x8000, $0x38;
	[tilespmem:$0x19900] =	vst v63  }
0xb5: {  	_ =	swait.ge [sflag:s29], $0x8000  }
0xb6: {  	s30 =	sadd.s32 $0x1, s30;
	s31 =	rddreg [dreg:$0x6]  }
0xb7: {  	p0 =	sne.s32 s30, s31  }
.Ltmp1:
0xb8: {  	_ = 	snop;
	(pc) =	sbr.rel @p0 .LBB2_1-.Ltmp1, $3  }
0xb9: {  	_ =	sdelay $0x1  }
0xba: {  	[sflag:s29] =	ssyncset.done $0x0  }
0xbb: {  	[sflag:s29] =	ssyncadd.s32 $0xFFFF8000  }
0xbc: {  	_ =	sfence.sel $0x180000  }
0xbd: {  	[bflag:$0x0] =	sbarrier.arrive $0xFFFF  }
0xbe: {  	_ =	strace $0x90000047  }
0xbf: {  	s0 =	stileid.u32;
	[bflag:$0x2] =	sbarrier.arrive $0xFFFF  }
0xc0: {  	p0 =	sne.s32 s0, $0x0;
	s0 =	rddreg [dreg:$0x3]  }
0xc1: {  	s0 =	sadd.s32 @!p0 $0x100000, s0  }
0xc2: {  	[sflag:s0] =	ssyncadd.tile.s32 @!p0 $0x1;
	_ =	shalt  }
.Lfunc_end2:
_tile_overlayer_lowered:
.L_overlay_start_2:
0xc3: {  	(tag) =	ssettag $0x2  }
0xc4: {  	s0 =	rddreg [dreg:$0x0];
	s2 =	stileid.u32  }
0xc5: {  	s1 =	rddreg [dreg:$0x1];
	p0 =	sne.s32 s2, $0x0  }
0xc6: {  	s3 =	rddreg [dreg:$0x2];
	[bflag:$0x3] =	sbarrier.arrive $0xFFFF;
	s2 =	simm.s32 @!p0 $0x1C09  }
0xc7: {  	[timem:s3], [sflag:s2] =	dma.local @!p0 [hbm:s0], s1  }
0xc8: {  	s0 =	simm.s32 @!p0 $0x9  }
0xc9: {  	_ =	swait.ge @!p0 [sflag:s0], s1  }
0xca: {  	s1 =	ssub.s32 @!p0 $0x0, s1;
	[sflag:s0] =	ssyncset.done @!p0 $0x0  }
0xcb: {  	[sflag:s0] =	ssyncadd.s32 @!p0 s1  }
0xcc: {  	[bflag:$0x3] =	sbarrier.arrive $0xFFFF  }
0xcd: {  	_ =	shalt  }

</sc_bundles>
